<compile_context>
chip_gen: v7x
topology: tpu7x:2x2x1
jax: 0.10.2.dev20260603
libtpu: 0.0.44.dev20260713+nightly
codegen_flags: <defaults>
</compile_context>

<pallas_src>
import functools

import jax
import jax.numpy as jnp
from jax import lax
from jax.experimental import pallas as pl
from jax.experimental.pallas import tpu as pltpu
from jax.experimental.pallas import tpu_sc as plsc

_VOCAB = 100000
_D = 64
_B = 4096
_L = 50
_N = _B * _L
_CHUNK = 64
_NC = 2
_NS = 16
_NW = _NC * _NS
_PER_W = _N // _NW
_NCHUNK = _PER_W // _CHUNK
_S = 4
_MAIN = (_NCHUNK // _S) * _S
_OUTER = _MAIN // _S


@functools.partial(
    pl.kernel,
    mesh=plsc.VectorSubcoreMesh(core_axis_name="c", subcore_axis_name="s"),
    out_type=jax.ShapeDtypeStruct((_N, 2 * _D), jnp.float32),
    scratch_types=[
        pltpu.VMEM((1, _NCHUNK, _CHUNK), jnp.int32),
        pltpu.VMEM((1, _NCHUNK, _CHUNK), jnp.int32),
        pltpu.VMEM((_S, _CHUNK, 2 * _D), jnp.float32),
        pltpu.VMEM((_S, _CHUNK, 2 * _D), jnp.float32),
        pltpu.SemaphoreType.DMA,
        pltpu.SemaphoreType.DMA,
        pltpu.SemaphoreType.DMA,
        pltpu.SemaphoreType.DMA,
        pltpu.SemaphoreType.DMA,
        pltpu.SemaphoreType.DMA,
        pltpu.SemaphoreType.DMA,
        pltpu.SemaphoreType.DMA,
    ],
)
def _emb_gather(wc_hbm, idx0_hbm, idx1_hbm, out_hbm,
                idx0_v, idx1_v, stag0, stag1,
                gsem0, gsem1, gsem2, gsem3, wsem0, wsem1, wsem2, wsem3):
    wid = lax.axis_index("s") * _NC + lax.axis_index("c")
    base_row = pl.multiple_of(wid * _PER_W, _PER_W)
    gsems = (gsem0, gsem1, gsem2, gsem3)
    wsems = (wsem0, wsem1, wsem2, wsem3)

    pltpu.sync_copy(idx0_hbm.at[pl.ds(wid, 1)], idx0_v)
    pltpu.sync_copy(idx1_hbm.at[pl.ds(wid, 1)], idx1_v)

    def fire_gathers(ch, b):
        pltpu.async_copy(wc_hbm.at[idx0_v.at[0, ch]], stag0.at[b], gsems[b])
        pltpu.async_copy(wc_hbm.at[idx1_v.at[0, ch]], stag1.at[b], gsems[b])

    def wait_gathers(ch, b):
        pltpu.make_async_copy(
            wc_hbm.at[idx0_v.at[0, ch]], stag0.at[b], gsems[b]).wait()
        pltpu.make_async_copy(
            wc_hbm.at[idx1_v.at[0, ch]], stag1.at[b], gsems[b]).wait()

    def merge(b):
        def merge_row(r, c):
            for rr in range(2):
                for k in range(_D // 16):
                    stag0[b, 2 * r + rr, pl.ds(_D + k * 16, 16)] = (
                        stag1[b, 2 * r + rr, pl.ds(_D + k * 16, 16)])
            return c
        lax.fori_loop(0, _CHUNK // 2, merge_row, 0)

    def out_slice(ch):
        row = pl.multiple_of(base_row + ch * _CHUNK, _CHUNK)
        return out_hbm.at[pl.ds(row, _CHUNK)]

    def fire_write(ch, b):
        pltpu.async_copy(stag0.at[b], out_slice(ch), wsems[b])

    def wait_write(ch, b):
        pltpu.make_async_copy(stag0.at[b], out_slice(ch), wsems[b]).wait()

    for b in range(_S):
        fire_gathers(b, b)

    def body(j, carry):
        for b in range(_S):
            ch = j * _S + b
            wait_gathers(ch, b)
            merge(b)
            fire_write(ch, b)
        for b in range(_S):
            ch_next = (j + 1) * _S + b

            @pl.when(ch_next < _NCHUNK)
            def _(b=b, ch_next=ch_next, j=j):
                wait_write(j * _S + b, b)
                fire_gathers(ch_next, b)
        return carry

    lax.fori_loop(0, _OUTER, body, 0)

    for b in range(_NCHUNK - _MAIN):
        ch = _MAIN + b
        wait_gathers(ch, b)
        merge(b)
        fire_write(ch, b)
        wait_write(ch, b)
    for b in range(_NCHUNK - _MAIN, _S):
        wait_write(_MAIN - _S + b, b)


def kernel(X, W0, W1):
    Wc = jnp.concatenate([W0, W1], axis=1)
    idx = jnp.nan_to_num(X).astype(jnp.int32)
    idx0 = idx[:, :, 0].T.reshape(_NW, _NCHUNK, _CHUNK)
    idx1 = idx[:, :, 1].T.reshape(_NW, _NCHUNK, _CHUNK)
    out = _emb_gather(Wc, idx0, idx1)
    return out.reshape(_L, _B, 2 * _D).transpose(1, 0, 2)

# --- scband reference (transcript-rebuilt; emitter-appended) ---
"""Pipeline reference for scband-modular-embedding-57664230916118 (READ-ONLY COPY).

The authoritative reference and input builder live on the scoring server;
editing this copy changes nothing except your own understanding.
"""

import jax, jax.numpy as jnp
import numpy as np

VOCAB = 100000
EMBED_DIM = 64
BATCH = 4096
SEQ = 50


def setup_inputs(seed: int = 0) -> dict:
    key = jax.random.key(seed)
    k1, k2, k3 = jax.random.split(key, 3)
    # X holds float-encoded integer ids for 2 variables: shape [B, L, 2]
    X = jax.random.randint(k1, (BATCH, SEQ, 2), 0, VOCAB).astype(jnp.float32)
    # Learned embedding tables (one per EmbeddingMap in ds_embed['modules'])
    W0 = jax.random.normal(k2, (VOCAB, EMBED_DIM), dtype=jnp.float32) * 0.02
    W1 = jax.random.normal(k3, (VOCAB, EMBED_DIM), dtype=jnp.float32) * 0.02
    return {"X": X, "W0": W0, "W1": W1}


def reference(X, W0, W1):
    # ModularEmbedding with comps='concat':
    # each EmbeddingMap does: X_ = nan_to_num(X[:, :, var_idx]); cast to long; nn.Embedding lookup
    idx0 = jnp.nan_to_num(X[:, :, 0]).astype(jnp.int32)
    idx1 = jnp.nan_to_num(X[:, :, 1]).astype(jnp.int32)
    out0 = jnp.take(W0, idx0, axis=0)  # [B, L, 64]
    out1 = jnp.take(W1, idx1, axis=0)  # [B, L, 64]
    # concat composition along last dim -> [B, L, 128]
    return jnp.concatenate([out0, out1], axis=-1)

if __name__ == "__main__":
    import jax
    _d = setup_inputs()
    print(jax.jit(kernel)(*tuple(_d.values())))

</pallas_src>

<mosaic_0001>
#map = affine_map<(d0, d1) -> (0, 0)>
#map1 = affine_map<(d0, d1) -> (0, 0, 0)>
module attributes {stable_mosaic.version = 14 : i64} {
  func.func @_emb_gather(%arg0: i32, %arg1: i32, %arg2: memref<100000x128xf32, #tpu.memory_space<hbm>>, %arg3: memref<32x100x64xi32, #tpu.memory_space<hbm>>, %arg4: memref<32x100x64xi32, #tpu.memory_space<hbm>>, %arg5: memref<204800x128xf32, #tpu.memory_space<hbm>>, %arg6: memref<1x100x64xi32, #tpu.memory_space<vmem>>, %arg7: memref<1x100x64xi32, #tpu.memory_space<vmem>>, %arg8: memref<4x64x128xf32, #tpu.memory_space<vmem>>, %arg9: memref<4x64x128xf32, #tpu.memory_space<vmem>>, %arg10: memref<!tpu.dma_semaphore, #tpu.memory_space<semaphore_mem>>, %arg11: memref<!tpu.dma_semaphore, #tpu.memory_space<semaphore_mem>>, %arg12: memref<!tpu.dma_semaphore, #tpu.memory_space<semaphore_mem>>, %arg13: memref<!tpu.dma_semaphore, #tpu.memory_space<semaphore_mem>>, %arg14: memref<!tpu.dma_semaphore, #tpu.memory_space<semaphore_mem>>, %arg15: memref<!tpu.dma_semaphore, #tpu.memory_space<semaphore_mem>>, %arg16: memref<!tpu.dma_semaphore, #tpu.memory_space<semaphore_mem>>, %arg17: memref<!tpu.dma_semaphore, #tpu.memory_space<semaphore_mem>>) attributes {dimension_semantics = [#tpu.dimension_semantics<core_parallel>, #tpu.dimension_semantics<subcore_parallel>], iteration_bounds = array<i64: 2, 16>, scalar_prefetch = 0 : i64, scratch_operands = 12 : i64, tpu.core_type = #tpu.core_type<sc_vector_subcore>, window_params = [{transform_indices = #map}, {transform_indices = #map1}, {transform_indices = #map1}, {transform_indices = #map}]} {
    %mul3A = arith.constant 2 : i32
    %mul3A_0 = arith.muli %arg1, %mul3A : i32
    %add3A = arith.addi %mul3A_0, %arg0 : i32
    %mul3A_1 = arith.constant 6400 : i32
    %mul3A_2 = arith.muli %add3A, %mul3A_1 : i32
    %multiple_of3A = tpu.assume_multiple %mul3A_2, 6400 : i32
    "tpu.region"() ({
      %run_scoped3A = tpu.sem_alloc : memref<!tpu.dma_semaphore, #tpu.memory_space<semaphore_mem>>
      %dma_start3A_174 = arith.constant 0 : i32
      %dma_start3A_175 = arith.constant 0 : i32
      %dma_start3A_176 = tpu.memref_slice %arg3[%add3A, %dma_start3A_174, %dma_start3A_175] : memref<32x100x64xi32, #tpu.memory_space<hbm>> -> memref<1x100x64xi32, #tpu.memory_space<hbm>>
      %dma_start3A_177 = arith.constant 0 : i32
      %dma_start3A_178 = arith.constant 0 : i32
      %dma_start3A_179 = tpu.memref_slice %arg3[%add3A, %dma_start3A_177, %dma_start3A_178] : memref<32x100x64xi32, #tpu.memory_space<hbm>> -> memref<1x100x64xi32, #tpu.memory_space<hbm>>
      tpu.enqueue_dma source(%dma_start3A_179 : memref<1x100x64xi32, #tpu.memory_space<hbm>>) target(%arg6 : memref<1x100x64xi32, #tpu.memory_space<vmem>>) target_semaphore(%run_scoped3A : memref<!tpu.dma_semaphore, #tpu.memory_space<semaphore_mem>>)
      %dma_wait3A_180 = arith.constant 0 : i32
      %dma_wait3A_181 = arith.constant 0 : i32
      %dma_wait3A_182 = tpu.memref_slice %arg3[%add3A, %dma_wait3A_180, %dma_wait3A_181] : memref<32x100x64xi32, #tpu.memory_space<hbm>> -> memref<1x100x64xi32, #tpu.memory_space<hbm>>
      %dma_wait3A_183 = arith.constant 0 : i32
      %dma_wait3A_184 = arith.constant 0 : i32
      %dma_wait3A_185 = tpu.memref_slice %arg3[%add3A, %dma_wait3A_183, %dma_wait3A_184] : memref<32x100x64xi32, #tpu.memory_space<hbm>> -> memref<1x100x64xi32, #tpu.memory_space<hbm>>
      tpu.wait_dma2 semaphore(%run_scoped3A : memref<!tpu.dma_semaphore, #tpu.memory_space<semaphore_mem>>) src(%dma_wait3A_185 : memref<1x100x64xi32, #tpu.memory_space<hbm>>) dst(%arg6 : memref<1x100x64xi32, #tpu.memory_space<vmem>>)
      tpu.yield
    }) : () -> ()
    "tpu.region"() ({
      %run_scoped3A = tpu.sem_alloc : memref<!tpu.dma_semaphore, #tpu.memory_space<semaphore_mem>>
      %dma_start3A_174 = arith.constant 0 : i32
      %dma_start3A_175 = arith.constant 0 : i32
      %dma_start3A_176 = tpu.memref_slice %arg4[%add3A, %dma_start3A_174, %dma_start3A_175] : memref<32x100x64xi32, #tpu.memory_space<hbm>> -> memref<1x100x64xi32, #tpu.memory_space<hbm>>
      %dma_start3A_177 = arith.constant 0 : i32
      %dma_start3A_178 = arith.constant 0 : i32
      %dma_start3A_179 = tpu.memref_slice %arg4[%add3A, %dma_start3A_177, %dma_start3A_178] : memref<32x100x64xi32, #tpu.memory_space<hbm>> -> memref<1x100x64xi32, #tpu.memory_space<hbm>>
      tpu.enqueue_dma source(%dma_start3A_179 : memref<1x100x64xi32, #tpu.memory_space<hbm>>) target(%arg7 : memref<1x100x64xi32, #tpu.memory_space<vmem>>) target_semaphore(%run_scoped3A : memref<!tpu.dma_semaphore, #tpu.memory_space<semaphore_mem>>)
      %dma_wait3A_180 = arith.constant 0 : i32
      %dma_wait3A_181 = arith.constant 0 : i32
      %dma_wait3A_182 = tpu.memref_slice %arg4[%add3A, %dma_wait3A_180, %dma_wait3A_181] : memref<32x100x64xi32, #tpu.memory_space<hbm>> -> memref<1x100x64xi32, #tpu.memory_space<hbm>>
      %dma_wait3A_183 = arith.constant 0 : i32
      %dma_wait3A_184 = arith.constant 0 : i32
      %dma_wait3A_185 = tpu.memref_slice %arg4[%add3A, %dma_wait3A_183, %dma_wait3A_184] : memref<32x100x64xi32, #tpu.memory_space<hbm>> -> memref<1x100x64xi32, #tpu.memory_space<hbm>>
      tpu.wait_dma2 semaphore(%run_scoped3A : memref<!tpu.dma_semaphore, #tpu.memory_space<semaphore_mem>>) src(%dma_wait3A_185 : memref<1x100x64xi32, #tpu.memory_space<hbm>>) dst(%arg7 : memref<1x100x64xi32, #tpu.memory_space<vmem>>)
      tpu.yield
    }) : () -> ()
    %dma_start3A = arith.constant 0 : i32
    %dma_start3A_3 = arith.constant 0 : i32
    %dma_start3A_4 = arith.constant 0 : i32
    %dma_start3A_5 = arith.constant 0 : i32
    %dma_start3A_6 = arith.constant 0 : i32
    %dma_start3A_7 = tpu.memref_slice %arg8[%dma_start3A_4, %dma_start3A_5, %dma_start3A_6] : memref<4x64x128xf32, #tpu.memory_space<vmem>> -> memref<1x64x128xf32, #tpu.memory_space<vmem>>
    %dma_start3A_8 = tpu.memref_squeeze %dma_start3A_7 : memref<1x64x128xf32, #tpu.memory_space<vmem>> -> memref<64x128xf32, #tpu.memory_space<vmem>>
    %dma_start3A_9 = arith.constant 0 : i32
    %dma_start3A_10 = tpu.memref_slice %arg6[%dma_start3A, %dma_start3A_3, %dma_start3A_9] : memref<1x100x64xi32, #tpu.memory_space<vmem>> -> memref<1x1x64xi32, #tpu.memory_space<vmem>>
    %dma_start3A_11 = tpu.memref_squeeze %dma_start3A_10 : memref<1x1x64xi32, #tpu.memory_space<vmem>> -> memref<64xi32, #tpu.memory_space<vmem>>
    %dma_start3A_12 = arith.constant 0 : i32
    %dma_start3A_13 = arith.constant 0 : i32
    %dma_start3A_14 = tpu.memref_slice %arg2[%dma_start3A_12, %dma_start3A_13] : memref<100000x128xf32, #tpu.memory_space<hbm>> -> memref<100000x128xf32, #tpu.memory_space<hbm>>
    tpu.enqueue_indirect_dma source(%dma_start3A_14 : memref<100000x128xf32, #tpu.memory_space<hbm>>) target(%dma_start3A_8 : memref<64x128xf32, #tpu.memory_space<vmem>>) offsets(%dma_start3A_11 : memref<64xi32, #tpu.memory_space<vmem>>) semaphore(%arg10 : memref<!tpu.dma_semaphore, #tpu.memory_space<semaphore_mem>>)
    %dma_start3A_15 = arith.constant 0 : i32
    %dma_start3A_16 = arith.constant 0 : i32
    %dma_start3A_17 = arith.constant 0 : i32
    %dma_start3A_18 = arith.constant 0 : i32
    %dma_start3A_19 = arith.constant 0 : i32
    %dma_start3A_20 = tpu.memref_slice %arg9[%dma_start3A_17, %dma_start3A_18, %dma_start3A_19] : memref<4x64x128xf32, #tpu.memory_space<vmem>> -> memref<1x64x128xf32, #tpu.memory_space<vmem>>
    %dma_start3A_21 = tpu.memref_squeeze %dma_start3A_20 : memref<1x64x128xf32, #tpu.memory_space<vmem>> -> memref<64x128xf32, #tpu.memory_space<vmem>>
    %dma_start3A_22 = arith.constant 0 : i32
    %dma_start3A_23 = tpu.memref_slice %arg7[%dma_start3A_15, %dma_start3A_16, %dma_start3A_22] : memref<1x100x64xi32, #tpu.memory_space<vmem>> -> memref<1x1x64xi32, #tpu.memory_space<vmem>>
    %dma_start3A_24 = tpu.memref_squeeze %dma_start3A_23 : memref<1x1x64xi32, #tpu.memory_space<vmem>> -> memref<64xi32, #tpu.memory_space<vmem>>
    %dma_start3A_25 = arith.constant 0 : i32
    %dma_start3A_26 = arith.constant 0 : i32
    %dma_start3A_27 = tpu.memref_slice %arg2[%dma_start3A_25, %dma_start3A_26] : memref<100000x128xf32, #tpu.memory_space<hbm>> -> memref<100000x128xf32, #tpu.memory_space<hbm>>
    tpu.enqueue_indirect_dma source(%dma_start3A_27 : memref<100000x128xf32, #tpu.memory_space<hbm>>) target(%dma_start3A_21 : memref<64x128xf32, #tpu.memory_space<vmem>>) offsets(%dma_start3A_24 : memref<64xi32, #tpu.memory_space<vmem>>) semaphore(%arg10 : memref<!tpu.dma_semaphore, #tpu.memory_space<semaphore_mem>>)
    %dma_start3A_28 = arith.constant 0 : i32
    %dma_start3A_29 = arith.constant 1 : i32
    %dma_start3A_30 = arith.constant 1 : i32
    %dma_start3A_31 = arith.constant 0 : i32
    %dma_start3A_32 = arith.constant 0 : i32
    %dma_start3A_33 = tpu.memref_slice %arg8[%dma_start3A_30, %dma_start3A_31, %dma_start3A_32] : memref<4x64x128xf32, #tpu.memory_space<vmem>> -> memref<1x64x128xf32, #tpu.memory_space<vmem>>
    %dma_start3A_34 = tpu.memref_squeeze %dma_start3A_33 : memref<1x64x128xf32, #tpu.memory_space<vmem>> -> memref<64x128xf32, #tpu.memory_space<vmem>>
    %dma_start3A_35 = arith.constant 0 : i32
    %dma_start3A_36 = tpu.memref_slice %arg6[%dma_start3A_28, %dma_start3A_29, %dma_start3A_35] : memref<1x100x64xi32, #tpu.memory_space<vmem>> -> memref<1x1x64xi32, #tpu.memory_space<vmem>>
    %dma_start3A_37 = tpu.memref_squeeze %dma_start3A_36 : memref<1x1x64xi32, #tpu.memory_space<vmem>> -> memref<64xi32, #tpu.memory_space<vmem>>
    %dma_start3A_38 = arith.constant 0 : i32
    %dma_start3A_39 = arith.constant 0 : i32
    %dma_start3A_40 = tpu.memref_slice %arg2[%dma_start3A_38, %dma_start3A_39] : memref<100000x128xf32, #tpu.memory_space<hbm>> -> memref<100000x128xf32, #tpu.memory_space<hbm>>
    tpu.enqueue_indirect_dma source(%dma_start3A_40 : memref<100000x128xf32, #tpu.memory_space<hbm>>) target(%dma_start3A_34 : memref<64x128xf32, #tpu.memory_space<vmem>>) offsets(%dma_start3A_37 : memref<64xi32, #tpu.memory_space<vmem>>) semaphore(%arg11 : memref<!tpu.dma_semaphore, #tpu.memory_space<semaphore_mem>>)
    %dma_start3A_41 = arith.constant 0 : i32
    %dma_start3A_42 = arith.constant 1 : i32
    %dma_start3A_43 = arith.constant 1 : i32
    %dma_start3A_44 = arith.constant 0 : i32
    %dma_start3A_45 = arith.constant 0 : i32
    %dma_start3A_46 = tpu.memref_slice %arg9[%dma_start3A_43, %dma_start3A_44, %dma_start3A_45] : memref<4x64x128xf32, #tpu.memory_space<vmem>> -> memref<1x64x128xf32, #tpu.memory_space<vmem>>
    %dma_start3A_47 = tpu.memref_squeeze %dma_start3A_46 : memref<1x64x128xf32, #tpu.memory_space<vmem>> -> memref<64x128xf32, #tpu.memory_space<vmem>>
    %dma_start3A_48 = arith.constant 0 : i32
    %dma_start3A_49 = tpu.memref_slice %arg7[%dma_start3A_41, %dma_start3A_42, %dma_start3A_48] : memref<1x100x64xi32, #tpu.memory_space<vmem>> -> memref<1x1x64xi32, #tpu.memory_space<vmem>>
    %dma_start3A_50 = tpu.memref_squeeze %dma_start3A_49 : memref<1x1x64xi32, #tpu.memory_space<vmem>> -> memref<64xi32, #tpu.memory_space<vmem>>
    %dma_start3A_51 = arith.constant 0 : i32
    %dma_start3A_52 = arith.constant 0 : i32
    %dma_start3A_53 = tpu.memref_slice %arg2[%dma_start3A_51, %dma_start3A_52] : memref<100000x128xf32, #tpu.memory_space<hbm>> -> memref<100000x128xf32, #tpu.memory_space<hbm>>
    tpu.enqueue_indirect_dma source(%dma_start3A_53 : memref<100000x128xf32, #tpu.memory_space<hbm>>) target(%dma_start3A_47 : memref<64x128xf32, #tpu.memory_space<vmem>>) offsets(%dma_start3A_50 : memref<64xi32, #tpu.memory_space<vmem>>) semaphore(%arg11 : memref<!tpu.dma_semaphore, #tpu.memory_space<semaphore_mem>>)
    %dma_start3A_54 = arith.constant 0 : i32
    %dma_start3A_55 = arith.constant 2 : i32
    %dma_start3A_56 = arith.constant 2 : i32
    %dma_start3A_57 = arith.constant 0 : i32
    %dma_start3A_58 = arith.constant 0 : i32
    %dma_start3A_59 = tpu.memref_slice %arg8[%dma_start3A_56, %dma_start3A_57, %dma_start3A_58] : memref<4x64x128xf32, #tpu.memory_space<vmem>> -> memref<1x64x128xf32, #tpu.memory_space<vmem>>
    %dma_start3A_60 = tpu.memref_squeeze %dma_start3A_59 : memref<1x64x128xf32, #tpu.memory_space<vmem>> -> memref<64x128xf32, #tpu.memory_space<vmem>>
    %dma_start3A_61 = arith.constant 0 : i32
    %dma_start3A_62 = tpu.memref_slice %arg6[%dma_start3A_54, %dma_start3A_55, %dma_start3A_61] : memref<1x100x64xi32, #tpu.memory_space<vmem>> -> memref<1x1x64xi32, #tpu.memory_space<vmem>>
    %dma_start3A_63 = tpu.memref_squeeze %dma_start3A_62 : memref<1x1x64xi32, #tpu.memory_space<vmem>> -> memref<64xi32, #tpu.memory_space<vmem>>
    %dma_start3A_64 = arith.constant 0 : i32
    %dma_start3A_65 = arith.constant 0 : i32
    %dma_start3A_66 = tpu.memref_slice %arg2[%dma_start3A_64, %dma_start3A_65] : memref<100000x128xf32, #tpu.memory_space<hbm>> -> memref<100000x128xf32, #tpu.memory_space<hbm>>
    tpu.enqueue_indirect_dma source(%dma_start3A_66 : memref<100000x128xf32, #tpu.memory_space<hbm>>) target(%dma_start3A_60 : memref<64x128xf32, #tpu.memory_space<vmem>>) offsets(%dma_start3A_63 : memref<64xi32, #tpu.memory_space<vmem>>) semaphore(%arg12 : memref<!tpu.dma_semaphore, #tpu.memory_space<semaphore_mem>>)
    %dma_start3A_67 = arith.constant 0 : i32
    %dma_start3A_68 = arith.constant 2 : i32
    %dma_start3A_69 = arith.constant 2 : i32
    %dma_start3A_70 = arith.constant 0 : i32
    %dma_start3A_71 = arith.constant 0 : i32
    %dma_start3A_72 = tpu.memref_slice %arg9[%dma_start3A_69, %dma_start3A_70, %dma_start3A_71] : memref<4x64x128xf32, #tpu.memory_space<vmem>> -> memref<1x64x128xf32, #tpu.memory_space<vmem>>
    %dma_start3A_73 = tpu.memref_squeeze %dma_start3A_72 : memref<1x64x128xf32, #tpu.memory_space<vmem>> -> memref<64x128xf32, #tpu.memory_space<vmem>>
    %dma_start3A_74 = arith.constant 0 : i32
    %dma_start3A_75 = tpu.memref_slice %arg7[%dma_start3A_67, %dma_start3A_68, %dma_start3A_74] : memref<1x100x64xi32, #tpu.memory_space<vmem>> -> memref<1x1x64xi32, #tpu.memory_space<vmem>>
    %dma_start3A_76 = tpu.memref_squeeze %dma_start3A_75 : memref<1x1x64xi32, #tpu.memory_space<vmem>> -> memref<64xi32, #tpu.memory_space<vmem>>
    %dma_start3A_77 = arith.constant 0 : i32
    %dma_start3A_78 = arith.constant 0 : i32
    %dma_start3A_79 = tpu.memref_slice %arg2[%dma_start3A_77, %dma_start3A_78] : memref<100000x128xf32, #tpu.memory_space<hbm>> -> memref<100000x128xf32, #tpu.memory_space<hbm>>
    tpu.enqueue_indirect_dma source(%dma_start3A_79 : memref<100000x128xf32, #tpu.memory_space<hbm>>) target(%dma_start3A_73 : memref<64x128xf32, #tpu.memory_space<vmem>>) offsets(%dma_start3A_76 : memref<64xi32, #tpu.memory_space<vmem>>) semaphore(%arg12 : memref<!tpu.dma_semaphore, #tpu.memory_space<semaphore_mem>>)
    %dma_start3A_80 = arith.constant 0 : i32
    %dma_start3A_81 = arith.constant 3 : i32
    %dma_start3A_82 = arith.constant 3 : i32
    %dma_start3A_83 = arith.constant 0 : i32
    %dma_start3A_84 = arith.constant 0 : i32
    %dma_start3A_85 = tpu.memref_slice %arg8[%dma_start3A_82, %dma_start3A_83, %dma_start3A_84] : memref<4x64x128xf32, #tpu.memory_space<vmem>> -> memref<1x64x128xf32, #tpu.memory_space<vmem>>
    %dma_start3A_86 = tpu.memref_squeeze %dma_start3A_85 : memref<1x64x128xf32, #tpu.memory_space<vmem>> -> memref<64x128xf32, #tpu.memory_space<vmem>>
    %dma_start3A_87 = arith.constant 0 : i32
    %dma_start3A_88 = tpu.memref_slice %arg6[%dma_start3A_80, %dma_start3A_81, %dma_start3A_87] : memref<1x100x64xi32, #tpu.memory_space<vmem>> -> memref<1x1x64xi32, #tpu.memory_space<vmem>>
    %dma_start3A_89 = tpu.memref_squeeze %dma_start3A_88 : memref<1x1x64xi32, #tpu.memory_space<vmem>> -> memref<64xi32, #tpu.memory_space<vmem>>
    %dma_start3A_90 = arith.constant 0 : i32
    %dma_start3A_91 = arith.constant 0 : i32
    %dma_start3A_92 = tpu.memref_slice %arg2[%dma_start3A_90, %dma_start3A_91] : memref<100000x128xf32, #tpu.memory_space<hbm>> -> memref<100000x128xf32, #tpu.memory_space<hbm>>
    tpu.enqueue_indirect_dma source(%dma_start3A_92 : memref<100000x128xf32, #tpu.memory_space<hbm>>) target(%dma_start3A_86 : memref<64x128xf32, #tpu.memory_space<vmem>>) offsets(%dma_start3A_89 : memref<64xi32, #tpu.memory_space<vmem>>) semaphore(%arg13 : memref<!tpu.dma_semaphore, #tpu.memory_space<semaphore_mem>>)
    %dma_start3A_93 = arith.constant 0 : i32
    %dma_start3A_94 = arith.constant 3 : i32
    %dma_start3A_95 = arith.constant 3 : i32
    %dma_start3A_96 = arith.constant 0 : i32
    %dma_start3A_97 = arith.constant 0 : i32
    %dma_start3A_98 = tpu.memref_slice %arg9[%dma_start3A_95, %dma_start3A_96, %dma_start3A_97] : memref<4x64x128xf32, #tpu.memory_space<vmem>> -> memref<1x64x128xf32, #tpu.memory_space<vmem>>
    %dma_start3A_99 = tpu.memref_squeeze %dma_start3A_98 : memref<1x64x128xf32, #tpu.memory_space<vmem>> -> memref<64x128xf32, #tpu.memory_space<vmem>>
    %dma_start3A_100 = arith.constant 0 : i32
    %dma_start3A_101 = tpu.memref_slice %arg7[%dma_start3A_93, %dma_start3A_94, %dma_start3A_100] : memref<1x100x64xi32, #tpu.memory_space<vmem>> -> memref<1x1x64xi32, #tpu.memory_space<vmem>>
    %dma_start3A_102 = tpu.memref_squeeze %dma_start3A_101 : memref<1x1x64xi32, #tpu.memory_space<vmem>> -> memref<64xi32, #tpu.memory_space<vmem>>
    %dma_start3A_103 = arith.constant 0 : i32
    %dma_start3A_104 = arith.constant 0 : i32
    %dma_start3A_105 = tpu.memref_slice %arg2[%dma_start3A_103, %dma_start3A_104] : memref<100000x128xf32, #tpu.memory_space<hbm>> -> memref<100000x128xf32, #tpu.memory_space<hbm>>
    tpu.enqueue_indirect_dma source(%dma_start3A_105 : memref<100000x128xf32, #tpu.memory_space<hbm>>) target(%dma_start3A_99 : memref<64x128xf32, #tpu.memory_space<vmem>>) offsets(%dma_start3A_102 : memref<64xi32, #tpu.memory_space<vmem>>) semaphore(%arg13 : memref<!tpu.dma_semaphore, #tpu.memory_space<semaphore_mem>>)
    %scan3A = arith.constant 0 : i32
    %scan3A_106 = arith.constant 0 : i32
    %scan3A_107 = arith.constant 25 : i32
    %scan3A_108 = arith.addi %scan3A_106, %scan3A_107 : i32
    %scan3A_109 = arith.constant 1 : i32
    scf.for %scan3A_174 = %scan3A_106 to %scan3A_108 step %scan3A_109  : i32 {
      %mul3A_175 = arith.constant 4 : i32
      %mul3A_176 = arith.muli %scan3A_174, %mul3A_175 : i32
      %add3A_177 = arith.constant 0 : i32
      %add3A_178 = arith.addi %mul3A_176, %add3A_177 : i32
      %dma_wait3A_179 = arith.constant 0 : i32
      %dma_wait3A_180 = arith.constant 0 : i32
      %dma_wait3A_181 = arith.constant 0 : i32
      %dma_wait3A_182 = arith.constant 0 : i32
      %dma_wait3A_183 = tpu.memref_slice %arg8[%dma_wait3A_180, %dma_wait3A_181, %dma_wait3A_182] : memref<4x64x128xf32, #tpu.memory_space<vmem>> -> memref<1x64x128xf32, #tpu.memory_space<vmem>>
      %dma_wait3A_184 = tpu.memref_squeeze %dma_wait3A_183 : memref<1x64x128xf32, #tpu.memory_space<vmem>> -> memref<64x128xf32, #tpu.memory_space<vmem>>
      %dma_wait3A_185 = arith.constant 0 : i32
      %dma_wait3A_186 = tpu.memref_slice %arg6[%dma_wait3A_179, %add3A_178, %dma_wait3A_185] : memref<1x100x64xi32, #tpu.memory_space<vmem>> -> memref<1x1x64xi32, #tpu.memory_space<vmem>>
      %dma_wait3A_187 = tpu.memref_squeeze %dma_wait3A_186 : memref<1x1x64xi32, #tpu.memory_space<vmem>> -> memref<64xi32, #tpu.memory_space<vmem>>
      %dma_wait3A_188 = arith.constant 0 : i32
      %dma_wait3A_189 = arith.constant 0 : i32
      %dma_wait3A_190 = tpu.memref_slice %arg2[%dma_wait3A_188, %dma_wait3A_189] : memref<100000x128xf32, #tpu.memory_space<hbm>> -> memref<100000x128xf32, #tpu.memory_space<hbm>>
      tpu.wait_indirect_dma semaphore(%arg10 : memref<!tpu.dma_semaphore, #tpu.memory_space<semaphore_mem>>) src(%dma_wait3A_190 : memref<100000x128xf32, #tpu.memory_space<hbm>>) dst(%dma_wait3A_184 : memref<64x128xf32, #tpu.memory_space<vmem>>)
      %dma_wait3A_191 = arith.constant 0 : i32
      %dma_wait3A_192 = arith.constant 0 : i32
      %dma_wait3A_193 = arith.constant 0 : i32
      %dma_wait3A_194 = arith.constant 0 : i32
      %dma_wait3A_195 = tpu.memref_slice %arg9[%dma_wait3A_192, %dma_wait3A_193, %dma_wait3A_194] : memref<4x64x128xf32, #tpu.memory_space<vmem>> -> memref<1x64x128xf32, #tpu.memory_space<vmem>>
      %dma_wait3A_196 = tpu.memref_squeeze %dma_wait3A_195 : memref<1x64x128xf32, #tpu.memory_space<vmem>> -> memref<64x128xf32, #tpu.memory_space<vmem>>
      %dma_wait3A_197 = arith.constant 0 : i32
      %dma_wait3A_198 = tpu.memref_slice %arg7[%dma_wait3A_191, %add3A_178, %dma_wait3A_197] : memref<1x100x64xi32, #tpu.memory_space<vmem>> -> memref<1x1x64xi32, #tpu.memory_space<vmem>>
      %dma_wait3A_199 = tpu.memref_squeeze %dma_wait3A_198 : memref<1x1x64xi32, #tpu.memory_space<vmem>> -> memref<64xi32, #tpu.memory_space<vmem>>
      %dma_wait3A_200 = arith.constant 0 : i32
      %dma_wait3A_201 = arith.constant 0 : i32
      %dma_wait3A_202 = tpu.memref_slice %arg2[%dma_wait3A_200, %dma_wait3A_201] : memref<100000x128xf32, #tpu.memory_space<hbm>> -> memref<100000x128xf32, #tpu.memory_space<hbm>>
      tpu.wait_indirect_dma semaphore(%arg10 : memref<!tpu.dma_semaphore, #tpu.memory_space<semaphore_mem>>) src(%dma_wait3A_202 : memref<100000x128xf32, #tpu.memory_space<hbm>>) dst(%dma_wait3A_196 : memref<64x128xf32, #tpu.memory_space<vmem>>)
      %scan3A_203 = arith.constant 0 : i32
      %scan3A_204 = arith.constant 0 : i32
      %scan3A_205 = arith.constant 32 : i32
      %scan3A_206 = arith.addi %scan3A_204, %scan3A_205 : i32
      %scan3A_207 = arith.constant 1 : i32
      scf.for %scan3A_420 = %scan3A_204 to %scan3A_206 step %scan3A_207  : i32 {
        %mul3A_421 = arith.constant 2 : i32
        %mul3A_422 = arith.muli %mul3A_421, %scan3A_420 : i32
        %add3A_423 = arith.constant 0 : i32
        %add3A_424 = arith.addi %mul3A_422, %add3A_423 : i32
        %get3A = arith.constant 0 : i32
        %get3A_425 = arith.index_cast %get3A : i32 to index
        %get3A_426 = arith.index_cast %add3A_424 : i32 to index
        %get3A_427 = arith.constant 64 : index
        %get3A_428 = tpu.vector_load %arg9[%get3A_425, %get3A_426, %get3A_427] {strides = array<i32>} : memref<4x64x128xf32, #tpu.memory_space<vmem>>, vector<1x1x16xf32>,
        %get3A_429 = vector.shape_cast %get3A_428 : vector<1x1x16xf32> to vector<16xf32>
        %mul3A_430 = arith.constant 2 : i32
        %mul3A_431 = arith.muli %mul3A_430, %scan3A_420 : i32
        %add3A_432 = arith.constant 0 : i32
        %add3A_433 = arith.addi %mul3A_431, %add3A_432 : i32
        %swap3A = arith.constant 0 : i32
        %swap3A_434 = arith.index_cast %swap3A : i32 to index
        %swap3A_435 = arith.index_cast %add3A_433 : i32 to index
        %swap3A_436 = arith.constant 64 : index
        %swap3A_437 = tpu.vector_load %arg8[%swap3A_434, %swap3A_435, %swap3A_436] {strides = array<i32>} : memref<4x64x128xf32, #tpu.memory_space<vmem>>, vector<1x1x16xf32>,
        %swap3A_438 = vector.shape_cast %swap3A_437 : vector<1x1x16xf32> to vector<16xf32>
        %swap3A_439 = vector.shape_cast %get3A_429 : vector<16xf32> to vector<1x1x16xf32>
        tpu.vector_store %arg8[%swap3A_434, %swap3A_435, %swap3A_436], %swap3A_439 {strides = array<i32>} : memref<4x64x128xf32, #tpu.memory_space<vmem>>, vector<1x1x16xf32>,
        %mul3A_440 = arith.constant 2 : i32
        %mul3A_441 = arith.muli %mul3A_440, %scan3A_420 : i32
        %add3A_442 = arith.constant 0 : i32
        %add3A_443 = arith.addi %mul3A_441, %add3A_442 : i32
        %get3A_444 = arith.constant 0 : i32
        %get3A_445 = arith.index_cast %get3A_444 : i32 to index
        %get3A_446 = arith.index_cast %add3A_443 : i32 to index
        %get3A_447 = arith.constant 80 : index
        %get3A_448 = tpu.vector_load %arg9[%get3A_445, %get3A_446, %get3A_447] {strides = array<i32>} : memref<4x64x128xf32, #tpu.memory_space<vmem>>, vector<1x1x16xf32>,
        %get3A_449 = vector.shape_cast %get3A_448 : vector<1x1x16xf32> to vector<16xf32>
        %mul3A_450 = arith.constant 2 : i32
        %mul3A_451 = arith.muli %mul3A_450, %scan3A_420 : i32
        %add3A_452 = arith.constant 0 : i32
        %add3A_453 = arith.addi %mul3A_451, %add3A_452 : i32
        %swap3A_454 = arith.constant 0 : i32
        %swap3A_455 = arith.index_cast %swap3A_454 : i32 to index
        %swap3A_456 = arith.index_cast %add3A_453 : i32 to index
        %swap3A_457 = arith.constant 80 : index
        %swap3A_458 = tpu.vector_load %arg8[%swap3A_455, %swap3A_456, %swap3A_457] {strides = array<i32>} : memref<4x64x128xf32, #tpu.memory_space<vmem>>, vector<1x1x16xf32>,
        %swap3A_459 = vector.shape_cast %swap3A_458 : vector<1x1x16xf32> to vector<16xf32>
        %swap3A_460 = vector.shape_cast %get3A_449 : vector<16xf32> to vector<1x1x16xf32>
        tpu.vector_store %arg8[%swap3A_455, %swap3A_456, %swap3A_457], %swap3A_460 {strides = array<i32>} : memref<4x64x128xf32, #tpu.memory_space<vmem>>, vector<1x1x16xf32>,
        %mul3A_461 = arith.constant 2 : i32
        %mul3A_462 = arith.muli %mul3A_461, %scan3A_420 : i32
        %add3A_463 = arith.constant 0 : i32
        %add3A_464 = arith.addi %mul3A_462, %add3A_463 : i32
        %get3A_465 = arith.constant 0 : i32
        %get3A_466 = arith.index_cast %get3A_465 : i32 to index
        %get3A_467 = arith.index_cast %add3A_464 : i32 to index
        %get3A_468 = arith.constant 96 : index
        %get3A_469 = tpu.vector_load %arg9[%get3A_466, %get3A_467, %get3A_468] {strides = array<i32>} : memref<4x64x128xf32, #tpu.memory_space<vmem>>, vector<1x1x16xf32>,
        %get3A_470 = vector.shape_cast %get3A_469 : vector<1x1x16xf32> to vector<16xf32>
        %mul3A_471 = arith.constant 2 : i32
        %mul3A_472 = arith.muli %mul3A_471, %scan3A_420 : i32
        %add3A_473 = arith.constant 0 : i32
        %add3A_474 = arith.addi %mul3A_472, %add3A_473 : i32
        %swap3A_475 = arith.constant 0 : i32
        %swap3A_476 = arith.index_cast %swap3A_475 : i32 to index
        %swap3A_477 = arith.index_cast %add3A_474 : i32 to index
        %swap3A_478 = arith.constant 96 : index
        %swap3A_479 = tpu.vector_load %arg8[%swap3A_476, %swap3A_477, %swap3A_478] {strides = array<i32>} : memref<4x64x128xf32, #tpu.memory_space<vmem>>, vector<1x1x16xf32>,
        %swap3A_480 = vector.shape_cast %swap3A_479 : vector<1x1x16xf32> to vector<16xf32>
        %swap3A_481 = vector.shape_cast %get3A_470 : vector<16xf32> to vector<1x1x16xf32>
        tpu.vector_store %arg8[%swap3A_476, %swap3A_477, %swap3A_478], %swap3A_481 {strides = array<i32>} : memref<4x64x128xf32, #tpu.memory_space<vmem>>, vector<1x1x16xf32>,
        %mul3A_482 = arith.constant 2 : i32
        %mul3A_483 = arith.muli %mul3A_482, %scan3A_420 : i32
        %add3A_484 = arith.constant 0 : i32
        %add3A_485 = arith.addi %mul3A_483, %add3A_484 : i32
        %get3A_486 = arith.constant 0 : i32
        %get3A_487 = arith.index_cast %get3A_486 : i32 to index
        %get3A_488 = arith.index_cast %add3A_485 : i32 to index
        %get3A_489 = arith.constant 112 : index
        %get3A_490 = tpu.vector_load %arg9[%get3A_487, %get3A_488, %get3A_489] {strides = array<i32>} : memref<4x64x128xf32, #tpu.memory_space<vmem>>, vector<1x1x16xf32>,
        %get3A_491 = vector.shape_cast %get3A_490 : vector<1x1x16xf32> to vector<16xf32>
        %mul3A_492 = arith.constant 2 : i32
        %mul3A_493 = arith.muli %mul3A_492, %scan3A_420 : i32
        %add3A_494 = arith.constant 0 : i32
        %add3A_495 = arith.addi %mul3A_493, %add3A_494 : i32
        %swap3A_496 = arith.constant 0 : i32
        %swap3A_497 = arith.index_cast %swap3A_496 : i32 to index
        %swap3A_498 = arith.index_cast %add3A_495 : i32 to index
        %swap3A_499 = arith.constant 112 : index
        %swap3A_500 = tpu.vector_load %arg8[%swap3A_497, %swap3A_498, %swap3A_499] {strides = array<i32>} : memref<4x64x128xf32, #tpu.memory_space<vmem>>, vector<1x1x16xf32>,
        %swap3A_501 = vector.shape_cast %swap3A_500 : vector<1x1x16xf32> to vector<16xf32>
        %swap3A_502 = vector.shape_cast %get3A_491 : vector<16xf32> to vector<1x1x16xf32>
        tpu.vector_store %arg8[%swap3A_497, %swap3A_498, %swap3A_499], %swap3A_502 {strides = array<i32>} : memref<4x64x128xf32, #tpu.memory_space<vmem>>, vector<1x1x16xf32>,
        %mul3A_503 = arith.constant 2 : i32
        %mul3A_504 = arith.muli %mul3A_503, %scan3A_420 : i32
        %add3A_505 = arith.constant 1 : i32
        %add3A_506 = arith.addi %mul3A_504, %add3A_505 : i32
        %get3A_507 = arith.constant 0 : i32
        %get3A_508 = arith.index_cast %get3A_507 : i32 to index
        %get3A_509 = arith.index_cast %add3A_506 : i32 to index
        %get3A_510 = arith.constant 64 : index
        %get3A_511 = tpu.vector_load %arg9[%get3A_508, %get3A_509, %get3A_510] {strides = array<i32>} : memref<4x64x128xf32, #tpu.memory_space<vmem>>, vector<1x1x16xf32>,
        %get3A_512 = vector.shape_cast %get3A_511 : vector<1x1x16xf32> to vector<16xf32>
        %mul3A_513 = arith.constant 2 : i32
        %mul3A_514 = arith.muli %mul3A_513, %scan3A_420 : i32
        %add3A_515 = arith.constant 1 : i32
        %add3A_516 = arith.addi %mul3A_514, %add3A_515 : i32
        %swap3A_517 = arith.constant 0 : i32
        %swap3A_518 = arith.index_cast %swap3A_517 : i32 to index
        %swap3A_519 = arith.index_cast %add3A_516 : i32 to index
        %swap3A_520 = arith.constant 64 : index
        %swap3A_521 = tpu.vector_load %arg8[%swap3A_518, %swap3A_519, %swap3A_520] {strides = array<i32>} : memref<4x64x128xf32, #tpu.memory_space<vmem>>, vector<1x1x16xf32>,
        %swap3A_522 = vector.shape_cast %swap3A_521 : vector<1x1x16xf32> to vector<16xf32>
        %swap3A_523 = vector.shape_cast %get3A_512 : vector<16xf32> to vector<1x1x16xf32>
        tpu.vector_store %arg8[%swap3A_518, %swap3A_519, %swap3A_520], %swap3A_523 {strides = array<i32>} : memref<4x64x128xf32, #tpu.memory_space<vmem>>, vector<1x1x16xf32>,
        %mul3A_524 = arith.constant 2 : i32
        %mul3A_525 = arith.muli %mul3A_524, %scan3A_420 : i32
        %add3A_526 = arith.constant 1 : i32
        %add3A_527 = arith.addi %mul3A_525, %add3A_526 : i32
        %get3A_528 = arith.constant 0 : i32
        %get3A_529 = arith.index_cast %get3A_528 : i32 to index
        %get3A_530 = arith.index_cast %add3A_527 : i32 to index
        %get3A_531 = arith.constant 80 : index
        %get3A_532 = tpu.vector_load %arg9[%get3A_529, %get3A_530, %get3A_531] {strides = array<i32>} : memref<4x64x128xf32, #tpu.memory_space<vmem>>, vector<1x1x16xf32>,
        %get3A_533 = vector.shape_cast %get3A_532 : vector<1x1x16xf32> to vector<16xf32>
        %mul3A_534 = arith.constant 2 : i32
        %mul3A_535 = arith.muli %mul3A_534, %scan3A_420 : i32
        %add3A_536 = arith.constant 1 : i32
        %add3A_537 = arith.addi %mul3A_535, %add3A_536 : i32
        %swap3A_538 = arith.constant 0 : i32
        %swap3A_539 = arith.index_cast %swap3A_538 : i32 to index
        %swap3A_540 = arith.index_cast %add3A_537 : i32 to index
        %swap3A_541 = arith.constant 80 : index
        %swap3A_542 = tpu.vector_load %arg8[%swap3A_539, %swap3A_540, %swap3A_541] {strides = array<i32>} : memref<4x64x128xf32, #tpu.memory_space<vmem>>, vector<1x1x16xf32>,
        %swap3A_543 = vector.shape_cast %swap3A_542 : vector<1x1x16xf32> to vector<16xf32>
        %swap3A_544 = vector.shape_cast %get3A_533 : vector<16xf32> to vector<1x1x16xf32>
        tpu.vector_store %arg8[%swap3A_539, %swap3A_540, %swap3A_541], %swap3A_544 {strides = array<i32>} : memref<4x64x128xf32, #tpu.memory_space<vmem>>, vector<1x1x16xf32>,
        %mul3A_545 = arith.constant 2 : i32
        %mul3A_546 = arith.muli %mul3A_545, %scan3A_420 : i32
        %add3A_547 = arith.constant 1 : i32
        %add3A_548 = arith.addi %mul3A_546, %add3A_547 : i32
        %get3A_549 = arith.constant 0 : i32
        %get3A_550 = arith.index_cast %get3A_549 : i32 to index
        %get3A_551 = arith.index_cast %add3A_548 : i32 to index
        %get3A_552 = arith.constant 96 : index
        %get3A_553 = tpu.vector_load %arg9[%get3A_550, %get3A_551, %get3A_552] {strides = array<i32>} : memref<4x64x128xf32, #tpu.memory_space<vmem>>, vector<1x1x16xf32>,
        %get3A_554 = vector.shape_cast %get3A_553 : vector<1x1x16xf32> to vector<16xf32>
        %mul3A_555 = arith.constant 2 : i32
        %mul3A_556 = arith.muli %mul3A_555, %scan3A_420 : i32
        %add3A_557 = arith.constant 1 : i32
        %add3A_558 = arith.addi %mul3A_556, %add3A_557 : i32
        %swap3A_559 = arith.constant 0 : i32
        %swap3A_560 = arith.index_cast %swap3A_559 : i32 to index
        %swap3A_561 = arith.index_cast %add3A_558 : i32 to index
        %swap3A_562 = arith.constant 96 : index
        %swap3A_563 = tpu.vector_load %arg8[%swap3A_560, %swap3A_561, %swap3A_562] {strides = array<i32>} : memref<4x64x128xf32, #tpu.memory_space<vmem>>, vector<1x1x16xf32>,
        %swap3A_564 = vector.shape_cast %swap3A_563 : vector<1x1x16xf32> to vector<16xf32>
        %swap3A_565 = vector.shape_cast %get3A_554 : vector<16xf32> to vector<1x1x16xf32>
        tpu.vector_store %arg8[%swap3A_560, %swap3A_561, %swap3A_562], %swap3A_565 {strides = array<i32>} : memref<4x64x128xf32, #tpu.memory_space<vmem>>, vector<1x1x16xf32>,
        %mul3A_566 = arith.constant 2 : i32
        %mul3A_567 = arith.muli %mul3A_566, %scan3A_420 : i32
        %add3A_568 = arith.constant 1 : i32
        %add3A_569 = arith.addi %mul3A_567, %add3A_568 : i32
        %get3A_570 = arith.constant 0 : i32
        %get3A_571 = arith.index_cast %get3A_570 : i32 to index
        %get3A_572 = arith.index_cast %add3A_569 : i32 to index
        %get3A_573 = arith.constant 112 : index
        %get3A_574 = tpu.vector_load %arg9[%get3A_571, %get3A_572, %get3A_573] {strides = array<i32>} : memref<4x64x128xf32, #tpu.memory_space<vmem>>, vector<1x1x16xf32>,
        %get3A_575 = vector.shape_cast %get3A_574 : vector<1x1x16xf32> to vector<16xf32>
        %mul3A_576 = arith.constant 2 : i32
        %mul3A_577 = arith.muli %mul3A_576, %scan3A_420 : i32
        %add3A_578 = arith.constant 1 : i32
        %add3A_579 = arith.addi %mul3A_577, %add3A_578 : i32
        %swap3A_580 = arith.constant 0 : i32
        %swap3A_581 = arith.index_cast %swap3A_580 : i32 to index
        %swap3A_582 = arith.index_cast %add3A_579 : i32 to index
        %swap3A_583 = arith.constant 112 : index
        %swap3A_584 = tpu.vector_load %arg8[%swap3A_581, %swap3A_582, %swap3A_583] {strides = array<i32>} : memref<4x64x128xf32, #tpu.memory_space<vmem>>, vector<1x1x16xf32>,
        %swap3A_585 = vector.shape_cast %swap3A_584 : vector<1x1x16xf32> to vector<16xf32>
        %swap3A_586 = vector.shape_cast %get3A_575 : vector<16xf32> to vector<1x1x16xf32>
        tpu.vector_store %arg8[%swap3A_581, %swap3A_582, %swap3A_583], %swap3A_586 {strides = array<i32>} : memref<4x64x128xf32, #tpu.memory_space<vmem>>, vector<1x1x16xf32>,
      }
      %scan3A_208 = arith.constant 32 : i32
      %mul3A_209 = arith.constant 64 : i32
      %mul3A_210 = arith.muli %add3A_178, %mul3A_209 : i32
      %add3A_211 = arith.addi %multiple_of3A, %mul3A_210 : i32
      %multiple_of3A_212 = tpu.assume_multiple %add3A_211, 64 : i32
      %dma_start3A_213 = arith.constant 0 : i32
      %dma_start3A_214 = arith.constant 0 : i32
      %dma_start3A_215 = arith.constant 0 : i32
      %dma_start3A_216 = tpu.memref_slice %arg8[%dma_start3A_213, %dma_start3A_214, %dma_start3A_215] : memref<4x64x128xf32, #tpu.memory_space<vmem>> -> memref<1x64x128xf32, #tpu.memory_space<vmem>>
      %dma_start3A_217 = tpu.memref_squeeze %dma_start3A_216 : memref<1x64x128xf32, #tpu.memory_space<vmem>> -> memref<64x128xf32, #tpu.memory_space<vmem>>
      %dma_start3A_218 = arith.constant 0 : i32
      %dma_start3A_219 = tpu.memref_slice %arg5[%multiple_of3A_212, %dma_start3A_218] : memref<204800x128xf32, #tpu.memory_space<hbm>> -> memref<64x128xf32, #tpu.memory_space<hbm>>
      %dma_start3A_220 = arith.constant 0 : i32
      %dma_start3A_221 = tpu.memref_slice %arg5[%multiple_of3A_212, %dma_start3A_220] : memref<204800x128xf32, #tpu.memory_space<hbm>> -> memref<64x128xf32, #tpu.memory_space<hbm>>
      %dma_start3A_222 = arith.constant 0 : i32
      %dma_start3A_223 = arith.constant 0 : i32
      %dma_start3A_224 = tpu.memref_slice %arg8[%dma_start3A_213, %dma_start3A_222, %dma_start3A_223] : memref<4x64x128xf32, #tpu.memory_space<vmem>> -> memref<1x64x128xf32, #tpu.memory_space<vmem>>
      %dma_start3A_225 = tpu.memref_squeeze %dma_start3A_224 : memref<1x64x128xf32, #tpu.memory_space<vmem>> -> memref<64x128xf32, #tpu.memory_space<vmem>>
      tpu.enqueue_dma source(%dma_start3A_225 : memref<64x128xf32, #tpu.memory_space<vmem>>) target(%dma_start3A_221 : memref<64x128xf32, #tpu.memory_space<hbm>>) target_semaphore(%arg14 : memref<!tpu.dma_semaphore, #tpu.memory_space<semaphore_mem>>)
      %mul3A_226 = arith.constant 4 : i32
      %mul3A_227 = arith.muli %scan3A_174, %mul3A_226 : i32
      %add3A_228 = arith.constant 1 : i32
      %add3A_229 = arith.addi %mul3A_227, %add3A_228 : i32
      %dma_wait3A_230 = arith.constant 0 : i32
      %dma_wait3A_231 = arith.constant 1 : i32
      %dma_wait3A_232 = arith.constant 0 : i32
      %dma_wait3A_233 = arith.constant 0 : i32
      %dma_wait3A_234 = tpu.memref_slice %arg8[%dma_wait3A_231, %dma_wait3A_232, %dma_wait3A_233] : memref<4x64x128xf32, #tpu.memory_space<vmem>> -> memref<1x64x128xf32, #tpu.memory_space<vmem>>
      %dma_wait3A_235 = tpu.memref_squeeze %dma_wait3A_234 : memref<1x64x128xf32, #tpu.memory_space<vmem>> -> memref<64x128xf32, #tpu.memory_space<vmem>>
      %dma_wait3A_236 = arith.constant 0 : i32
      %dma_wait3A_237 = tpu.memref_slice %arg6[%dma_wait3A_230, %add3A_229, %dma_wait3A_236] : memref<1x100x64xi32, #tpu.memory_space<vmem>> -> memref<1x1x64xi32, #tpu.memory_space<vmem>>
      %dma_wait3A_238 = tpu.memref_squeeze %dma_wait3A_237 : memref<1x1x64xi32, #tpu.memory_space<vmem>> -> memref<64xi32, #tpu.memory_space<vmem>>
      %dma_wait3A_239 = arith.constant 0 : i32
      %dma_wait3A_240 = arith.constant 0 : i32
      %dma_wait3A_241 = tpu.memref_slice %arg2[%dma_wait3A_239, %dma_wait3A_240] : memref<100000x128xf32, #tpu.memory_space<hbm>> -> memref<100000x128xf32, #tpu.memory_space<hbm>>
      tpu.wait_indirect_dma semaphore(%arg11 : memref<!tpu.dma_semaphore, #tpu.memory_space<semaphore_mem>>) src(%dma_wait3A_241 : memref<100000x128xf32, #tpu.memory_space<hbm>>) dst(%dma_wait3A_235 : memref<64x128xf32, #tpu.memory_space<vmem>>)
      %dma_wait3A_242 = arith.constant 0 : i32
      %dma_wait3A_243 = arith.constant 1 : i32
      %dma_wait3A_244 = arith.constant 0 : i32
      %dma_wait3A_245 = arith.constant 0 : i32
      %dma_wait3A_246 = tpu.memref_slice %arg9[%dma_wait3A_243, %dma_wait3A_244, %dma_wait3A_245] : memref<4x64x128xf32, #tpu.memory_space<vmem>> -> memref<1x64x128xf32, #tpu.memory_space<vmem>>
      %dma_wait3A_247 = tpu.memref_squeeze %dma_wait3A_246 : memref<1x64x128xf32, #tpu.memory_space<vmem>> -> memref<64x128xf32, #tpu.memory_space<vmem>>
      %dma_wait3A_248 = arith.constant 0 : i32
      %dma_wait3A_249 = tpu.memref_slice %arg7[%dma_wait3A_242, %add3A_229, %dma_wait3A_248] : memref<1x100x64xi32, #tpu.memory_space<vmem>> -> memref<1x1x64xi32, #tpu.memory_space<vmem>>
      %dma_wait3A_250 = tpu.memref_squeeze %dma_wait3A_249 : memref<1x1x64xi32, #tpu.memory_space<vmem>> -> memref<64xi32, #tpu.memory_space<vmem>>
      %dma_wait3A_251 = arith.constant 0 : i32
      %dma_wait3A_252 = arith.constant 0 : i32
      %dma_wait3A_253 = tpu.memref_slice %arg2[%dma_wait3A_251, %dma_wait3A_252] : memref<100000x128xf32, #tpu.memory_space<hbm>> -> memref<100000x128xf32, #tpu.memory_space<hbm>>
      tpu.wait_indirect_dma semaphore(%arg11 : memref<!tpu.dma_semaphore, #tpu.memory_space<semaphore_mem>>) src(%dma_wait3A_253 : memref<100000x128xf32, #tpu.memory_space<hbm>>) dst(%dma_wait3A_247 : memref<64x128xf32, #tpu.memory_space<vmem>>)
      %scan3A_254 = arith.constant 0 : i32
      %scan3A_255 = arith.constant 0 : i32
      %scan3A_256 = arith.constant 32 : i32
      %scan3A_257 = arith.addi %scan3A_255, %scan3A_256 : i32
      %scan3A_258 = arith.constant 1 : i32
      scf.for %scan3A_420 = %scan3A_255 to %scan3A_257 step %scan3A_258  : i32 {
        %mul3A_421 = arith.constant 2 : i32
        %mul3A_422 = arith.muli %mul3A_421, %scan3A_420 : i32
        %add3A_423 = arith.constant 0 : i32
        %add3A_424 = arith.addi %mul3A_422, %add3A_423 : i32
        %get3A = arith.constant 1 : i32
        %get3A_425 = arith.index_cast %get3A : i32 to index
        %get3A_426 = arith.index_cast %add3A_424 : i32 to index
        %get3A_427 = arith.constant 64 : index
        %get3A_428 = tpu.vector_load %arg9[%get3A_425, %get3A_426, %get3A_427] {strides = array<i32>} : memref<4x64x128xf32, #tpu.memory_space<vmem>>, vector<1x1x16xf32>,
        %get3A_429 = vector.shape_cast %get3A_428 : vector<1x1x16xf32> to vector<16xf32>
        %mul3A_430 = arith.constant 2 : i32
        %mul3A_431 = arith.muli %mul3A_430, %scan3A_420 : i32
        %add3A_432 = arith.constant 0 : i32
        %add3A_433 = arith.addi %mul3A_431, %add3A_432 : i32
        %swap3A = arith.constant 1 : i32
        %swap3A_434 = arith.index_cast %swap3A : i32 to index
        %swap3A_435 = arith.index_cast %add3A_433 : i32 to index
        %swap3A_436 = arith.constant 64 : index
        %swap3A_437 = tpu.vector_load %arg8[%swap3A_434, %swap3A_435, %swap3A_436] {strides = array<i32>} : memref<4x64x128xf32, #tpu.memory_space<vmem>>, vector<1x1x16xf32>,
        %swap3A_438 = vector.shape_cast %swap3A_437 : vector<1x1x16xf32> to vector<16xf32>
        %swap3A_439 = vector.shape_cast %get3A_429 : vector<16xf32> to vector<1x1x16xf32>
        tpu.vector_store %arg8[%swap3A_434, %swap3A_435, %swap3A_436], %swap3A_439 {strides = array<i32>} : memref<4x64x128xf32, #tpu.memory_space<vmem>>, vector<1x1x16xf32>,
        %mul3A_440 = arith.constant 2 : i32
        %mul3A_441 = arith.muli %mul3A_440, %scan3A_420 : i32
        %add3A_442 = arith.constant 0 : i32
        %add3A_443 = arith.addi %mul3A_441, %add3A_442 : i32
        %get3A_444 = arith.constant 1 : i32
        %get3A_445 = arith.index_cast %get3A_444 : i32 to index
        %get3A_446 = arith.index_cast %add3A_443 : i32 to index
        %get3A_447 = arith.constant 80 : index
        %get3A_448 = tpu.vector_load %arg9[%get3A_445, %get3A_446, %get3A_447] {strides = array<i32>} : memref<4x64x128xf32, #tpu.memory_space<vmem>>, vector<1x1x16xf32>,
        %get3A_449 = vector.shape_cast %get3A_448 : vector<1x1x16xf32> to vector<16xf32>
        %mul3A_450 = arith.constant 2 : i32
        %mul3A_451 = arith.muli %mul3A_450, %scan3A_420 : i32
        %add3A_452 = arith.constant 0 : i32
        %add3A_453 = arith.addi %mul3A_451, %add3A_452 : i32
        %swap3A_454 = arith.constant 1 : i32
        %swap3A_455 = arith.index_cast %swap3A_454 : i32 to index
        %swap3A_456 = arith.index_cast %add3A_453 : i32 to index
        %swap3A_457 = arith.constant 80 : index
        %swap3A_458 = tpu.vector_load %arg8[%swap3A_455, %swap3A_456, %swap3A_457] {strides = array<i32>} : memref<4x64x128xf32, #tpu.memory_space<vmem>>, vector<1x1x16xf32>,
        %swap3A_459 = vector.shape_cast %swap3A_458 : vector<1x1x16xf32> to vector<16xf32>
        %swap3A_460 = vector.shape_cast %get3A_449 : vector<16xf32> to vector<1x1x16xf32>
        tpu.vector_store %arg8[%swap3A_455, %swap3A_456, %swap3A_457], %swap3A_460 {strides = array<i32>} : memref<4x64x128xf32, #tpu.memory_space<vmem>>, vector<1x1x16xf32>,
        %mul3A_461 = arith.constant 2 : i32
        %mul3A_462 = arith.muli %mul3A_461, %scan3A_420 : i32
        %add3A_463 = arith.constant 0 : i32
        %add3A_464 = arith.addi %mul3A_462, %add3A_463 : i32
        %get3A_465 = arith.constant 1 : i32
        %get3A_466 = arith.index_cast %get3A_465 : i32 to index
        %get3A_467 = arith.index_cast %add3A_464 : i32 to index
        %get3A_468 = arith.constant 96 : index
        %get3A_469 = tpu.vector_load %arg9[%get3A_466, %get3A_467, %get3A_468] {strides = array<i32>} : memref<4x64x128xf32, #tpu.memory_space<vmem>>, vector<1x1x16xf32>,
        %get3A_470 = vector.shape_cast %get3A_469 : vector<1x1x16xf32> to vector<16xf32>
        %mul3A_471 = arith.constant 2 : i32
        %mul3A_472 = arith.muli %mul3A_471, %scan3A_420 : i32
        %add3A_473 = arith.constant 0 : i32
        %add3A_474 = arith.addi %mul3A_472, %add3A_473 : i32
        %swap3A_475 = arith.constant 1 : i32
        %swap3A_476 = arith.index_cast %swap3A_475 : i32 to index
        %swap3A_477 = arith.index_cast %add3A_474 : i32 to index
        %swap3A_478 = arith.constant 96 : index
        %swap3A_479 = tpu.vector_load %arg8[%swap3A_476, %swap3A_477, %swap3A_478] {strides = array<i32>} : memref<4x64x128xf32, #tpu.memory_space<vmem>>, vector<1x1x16xf32>,
        %swap3A_480 = vector.shape_cast %swap3A_479 : vector<1x1x16xf32> to vector<16xf32>
        %swap3A_481 = vector.shape_cast %get3A_470 : vector<16xf32> to vector<1x1x16xf32>
        tpu.vector_store %arg8[%swap3A_476, %swap3A_477, %swap3A_478], %swap3A_481 {strides = array<i32>} : memref<4x64x128xf32, #tpu.memory_space<vmem>>, vector<1x1x16xf32>,
        %mul3A_482 = arith.constant 2 : i32
        %mul3A_483 = arith.muli %mul3A_482, %scan3A_420 : i32
        %add3A_484 = arith.constant 0 : i32
        %add3A_485 = arith.addi %mul3A_483, %add3A_484 : i32
        %get3A_486 = arith.constant 1 : i32
        %get3A_487 = arith.index_cast %get3A_486 : i32 to index
        %get3A_488 = arith.index_cast %add3A_485 : i32 to index
        %get3A_489 = arith.constant 112 : index
        %get3A_490 = tpu.vector_load %arg9[%get3A_487, %get3A_488, %get3A_489] {strides = array<i32>} : memref<4x64x128xf32, #tpu.memory_space<vmem>>, vector<1x1x16xf32>,
        %get3A_491 = vector.shape_cast %get3A_490 : vector<1x1x16xf32> to vector<16xf32>
        %mul3A_492 = arith.constant 2 : i32
        %mul3A_493 = arith.muli %mul3A_492, %scan3A_420 : i32
        %add3A_494 = arith.constant 0 : i32
        %add3A_495 = arith.addi %mul3A_493, %add3A_494 : i32
        %swap3A_496 = arith.constant 1 : i32
        %swap3A_497 = arith.index_cast %swap3A_496 : i32 to index
        %swap3A_498 = arith.index_cast %add3A_495 : i32 to index
        %swap3A_499 = arith.constant 112 : index
        %swap3A_500 = tpu.vector_load %arg8[%swap3A_497, %swap3A_498, %swap3A_499] {strides = array<i32>} : memref<4x64x128xf32, #tpu.memory_space<vmem>>, vector<1x1x16xf32>,
        %swap3A_501 = vector.shape_cast %swap3A_500 : vector<1x1x16xf32> to vector<16xf32>
        %swap3A_502 = vector.shape_cast %get3A_491 : vector<16xf32> to vector<1x1x16xf32>
        tpu.vector_store %arg8[%swap3A_497, %swap3A_498, %swap3A_499], %swap3A_502 {strides = array<i32>} : memref<4x64x128xf32, #tpu.memory_space<vmem>>, vector<1x1x16xf32>,
        %mul3A_503 = arith.constant 2 : i32
        %mul3A_504 = arith.muli %mul3A_503, %scan3A_420 : i32
        %add3A_505 = arith.constant 1 : i32
        %add3A_506 = arith.addi %mul3A_504, %add3A_505 : i32
        %get3A_507 = arith.constant 1 : i32
        %get3A_508 = arith.index_cast %get3A_507 : i32 to index
        %get3A_509 = arith.index_cast %add3A_506 : i32 to index
        %get3A_510 = arith.constant 64 : index
        %get3A_511 = tpu.vector_load %arg9[%get3A_508, %get3A_509, %get3A_510] {strides = array<i32>} : memref<4x64x128xf32, #tpu.memory_space<vmem>>, vector<1x1x16xf32>,
        %get3A_512 = vector.shape_cast %get3A_511 : vector<1x1x16xf32> to vector<16xf32>
        %mul3A_513 = arith.constant 2 : i32
        %mul3A_514 = arith.muli %mul3A_513, %scan3A_420 : i32
        %add3A_515 = arith.constant 1 : i32
        %add3A_516 = arith.addi %mul3A_514, %add3A_515 : i32
        %swap3A_517 = arith.constant 1 : i32
        %swap3A_518 = arith.index_cast %swap3A_517 : i32 to index
        %swap3A_519 = arith.index_cast %add3A_516 : i32 to index
        %swap3A_520 = arith.constant 64 : index
        %swap3A_521 = tpu.vector_load %arg8[%swap3A_518, %swap3A_519, %swap3A_520] {strides = array<i32>} : memref<4x64x128xf32, #tpu.memory_space<vmem>>, vector<1x1x16xf32>,
        %swap3A_522 = vector.shape_cast %swap3A_521 : vector<1x1x16xf32> to vector<16xf32>
        %swap3A_523 = vector.shape_cast %get3A_512 : vector<16xf32> to vector<1x1x16xf32>
        tpu.vector_store %arg8[%swap3A_518, %swap3A_519, %swap3A_520], %swap3A_523 {strides = array<i32>} : memref<4x64x128xf32, #tpu.memory_space<vmem>>, vector<1x1x16xf32>,
        %mul3A_524 = arith.constant 2 : i32
        %mul3A_525 = arith.muli %mul3A_524, %scan3A_420 : i32
        %add3A_526 = arith.constant 1 : i32
        %add3A_527 = arith.addi %mul3A_525, %add3A_526 : i32
        %get3A_528 = arith.constant 1 : i32
        %get3A_529 = arith.index_cast %get3A_528 : i32 to index
        %get3A_530 = arith.index_cast %add3A_527 : i32 to index
        %get3A_531 = arith.constant 80 : index
        %get3A_532 = tpu.vector_load %arg9[%get3A_529, %get3A_530, %get3A_531] {strides = array<i32>} : memref<4x64x128xf32, #tpu.memory_space<vmem>>, vector<1x1x16xf32>,
        %get3A_533 = vector.shape_cast %get3A_532 : vector<1x1x16xf32> to vector<16xf32>
        %mul3A_534 = arith.constant 2 : i32
        %mul3A_535 = arith.muli %mul3A_534, %scan3A_420 : i32
        %add3A_536 = arith.constant 1 : i32
        %add3A_537 = arith.addi %mul3A_535, %add3A_536 : i32
        %swap3A_538 = arith.constant 1 : i32
        %swap3A_539 = arith.index_cast %swap3A_538 : i32 to index
        %swap3A_540 = arith.index_cast %add3A_537 : i32 to index
        %swap3A_541 = arith.constant 80 : index
        %swap3A_542 = tpu.vector_load %arg8[%swap3A_539, %swap3A_540, %swap3A_541] {strides = array<i32>} : memref<4x64x128xf32, #tpu.memory_space<vmem>>, vector<1x1x16xf32>,
        %swap3A_543 = vector.shape_cast %swap3A_542 : vector<1x1x16xf32> to vector<16xf32>
        %swap3A_544 = vector.shape_cast %get3A_533 : vector<16xf32> to vector<1x1x16xf32>
        tpu.vector_store %arg8[%swap3A_539, %swap3A_540, %swap3A_541], %swap3A_544 {strides = array<i32>} : memref<4x64x128xf32, #tpu.memory_space<vmem>>, vector<1x1x16xf32>,
        %mul3A_545 = arith.constant 2 : i32
        %mul3A_546 = arith.muli %mul3A_545, %scan3A_420 : i32
        %add3A_547 = arith.constant 1 : i32
        %add3A_548 = arith.addi %mul3A_546, %add3A_547 : i32
        %get3A_549 = arith.constant 1 : i32
        %get3A_550 = arith.index_cast %get3A_549 : i32 to index
        %get3A_551 = arith.index_cast %add3A_548 : i32 to index
        %get3A_552 = arith.constant 96 : index
        %get3A_553 = tpu.vector_load %arg9[%get3A_550, %get3A_551, %get3A_552] {strides = array<i32>} : memref<4x64x128xf32, #tpu.memory_space<vmem>>, vector<1x1x16xf32>,
        %get3A_554 = vector.shape_cast %get3A_553 : vector<1x1x16xf32> to vector<16xf32>
        %mul3A_555 = arith.constant 2 : i32
        %mul3A_556 = arith.muli %mul3A_555, %scan3A_420 : i32
        %add3A_557 = arith.constant 1 : i32
        %add3A_558 = arith.addi %mul3A_556, %add3A_557 : i32
        %swap3A_559 = arith.constant 1 : i32
        %swap3A_560 = arith.index_cast %swap3A_559 : i32 to index
        %swap3A_561 = arith.index_cast %add3A_558 : i32 to index
        %swap3A_562 = arith.constant 96 : index
        %swap3A_563 = tpu.vector_load %arg8[%swap3A_560, %swap3A_561, %swap3A_562] {strides = array<i32>} : memref<4x64x128xf32, #tpu.memory_space<vmem>>, vector<1x1x16xf32>,
        %swap3A_564 = vector.shape_cast %swap3A_563 : vector<1x1x16xf32> to vector<16xf32>
        %swap3A_565 = vector.shape_cast %get3A_554 : vector<16xf32> to vector<1x1x16xf32>
        tpu.vector_store %arg8[%swap3A_560, %swap3A_561, %swap3A_562], %swap3A_565 {strides = array<i32>} : memref<4x64x128xf32, #tpu.memory_space<vmem>>, vector<1x1x16xf32>,
        %mul3A_566 = arith.constant 2 : i32
        %mul3A_567 = arith.muli %mul3A_566, %scan3A_420 : i32
        %add3A_568 = arith.constant 1 : i32
        %add3A_569 = arith.addi %mul3A_567, %add3A_568 : i32
        %get3A_570 = arith.constant 1 : i32
        %get3A_571 = arith.index_cast %get3A_570 : i32 to index
        %get3A_572 = arith.index_cast %add3A_569 : i32 to index
        %get3A_573 = arith.constant 112 : index
        %get3A_574 = tpu.vector_load %arg9[%get3A_571, %get3A_572, %get3A_573] {strides = array<i32>} : memref<4x64x128xf32, #tpu.memory_space<vmem>>, vector<1x1x16xf32>,
        %get3A_575 = vector.shape_cast %get3A_574 : vector<1x1x16xf32> to vector<16xf32>
        %mul3A_576 = arith.constant 2 : i32
        %mul3A_577 = arith.muli %mul3A_576, %scan3A_420 : i32
        %add3A_578 = arith.constant 1 : i32
        %add3A_579 = arith.addi %mul3A_577, %add3A_578 : i32
        %swap3A_580 = arith.constant 1 : i32
        %swap3A_581 = arith.index_cast %swap3A_580 : i32 to index
        %swap3A_582 = arith.index_cast %add3A_579 : i32 to index
        %swap3A_583 = arith.constant 112 : index
        %swap3A_584 = tpu.vector_load %arg8[%swap3A_581, %swap3A_582, %swap3A_583] {strides = array<i32>} : memref<4x64x128xf32, #tpu.memory_space<vmem>>, vector<1x1x16xf32>,
        %swap3A_585 = vector.shape_cast %swap3A_584 : vector<1x1x16xf32> to vector<16xf32>
        %swap3A_586 = vector.shape_cast %get3A_575 : vector<16xf32> to vector<1x1x16xf32>
        tpu.vector_store %arg8[%swap3A_581, %swap3A_582, %swap3A_583], %swap3A_586 {strides = array<i32>} : memref<4x64x128xf32, #tpu.memory_space<vmem>>, vector<1x1x16xf32>,
      }
      %scan3A_259 = arith.constant 32 : i32
      %mul3A_260 = arith.constant 64 : i32
      %mul3A_261 = arith.muli %add3A_229, %mul3A_260 : i32
      %add3A_262 = arith.addi %multiple_of3A, %mul3A_261 : i32
      %multiple_of3A_263 = tpu.assume_multiple %add3A_262, 64 : i32
      %dma_start3A_264 = arith.constant 1 : i32
      %dma_start3A_265 = arith.constant 0 : i32
      %dma_start3A_266 = arith.constant 0 : i32
      %dma_start3A_267 = tpu.memref_slice %arg8[%dma_start3A_264, %dma_start3A_265, %dma_start3A_266] : memref<4x64x128xf32, #tpu.memory_space<vmem>> -> memref<1x64x128xf32, #tpu.memory_space<vmem>>
      %dma_start3A_268 = tpu.memref_squeeze %dma_start3A_267 : memref<1x64x128xf32, #tpu.memory_space<vmem>> -> memref<64x128xf32, #tpu.memory_space<vmem>>
      %dma_start3A_269 = arith.constant 0 : i32
      %dma_start3A_270 = tpu.memref_slice %arg5[%multiple_of3A_263, %dma_start3A_269] : memref<204800x128xf32, #tpu.memory_space<hbm>> -> memref<64x128xf32, #tpu.memory_space<hbm>>
      %dma_start3A_271 = arith.constant 0 : i32
      %dma_start3A_272 = tpu.memref_slice %arg5[%multiple_of3A_263, %dma_start3A_271] : memref<204800x128xf32, #tpu.memory_space<hbm>> -> memref<64x128xf32, #tpu.memory_space<hbm>>
      %dma_start3A_273 = arith.constant 0 : i32
      %dma_start3A_274 = arith.constant 0 : i32
      %dma_start3A_275 = tpu.memref_slice %arg8[%dma_start3A_264, %dma_start3A_273, %dma_start3A_274] : memref<4x64x128xf32, #tpu.memory_space<vmem>> -> memref<1x64x128xf32, #tpu.memory_space<vmem>>
      %dma_start3A_276 = tpu.memref_squeeze %dma_start3A_275 : memref<1x64x128xf32, #tpu.memory_space<vmem>> -> memref<64x128xf32, #tpu.memory_space<vmem>>
      tpu.enqueue_dma source(%dma_start3A_276 : memref<64x128xf32, #tpu.memory_space<vmem>>) target(%dma_start3A_272 : memref<64x128xf32, #tpu.memory_space<hbm>>) target_semaphore(%arg15 : memref<!tpu.dma_semaphore, #tpu.memory_space<semaphore_mem>>)
      %mul3A_277 = arith.constant 4 : i32
      %mul3A_278 = arith.muli %scan3A_174, %mul3A_277 : i32
      %add3A_279 = arith.constant 2 : i32
      %add3A_280 = arith.addi %mul3A_278, %add3A_279 : i32
      %dma_wait3A_281 = arith.constant 0 : i32
      %dma_wait3A_282 = arith.constant 2 : i32
      %dma_wait3A_283 = arith.constant 0 : i32
      %dma_wait3A_284 = arith.constant 0 : i32
      %dma_wait3A_285 = tpu.memref_slice %arg8[%dma_wait3A_282, %dma_wait3A_283, %dma_wait3A_284] : memref<4x64x128xf32, #tpu.memory_space<vmem>> -> memref<1x64x128xf32, #tpu.memory_space<vmem>>
      %dma_wait3A_286 = tpu.memref_squeeze %dma_wait3A_285 : memref<1x64x128xf32, #tpu.memory_space<vmem>> -> memref<64x128xf32, #tpu.memory_space<vmem>>
      %dma_wait3A_287 = arith.constant 0 : i32
      %dma_wait3A_288 = tpu.memref_slice %arg6[%dma_wait3A_281, %add3A_280, %dma_wait3A_287] : memref<1x100x64xi32, #tpu.memory_space<vmem>> -> memref<1x1x64xi32, #tpu.memory_space<vmem>>
      %dma_wait3A_289 = tpu.memref_squeeze %dma_wait3A_288 : memref<1x1x64xi32, #tpu.memory_space<vmem>> -> memref<64xi32, #tpu.memory_space<vmem>>
      %dma_wait3A_290 = arith.constant 0 : i32
      %dma_wait3A_291 = arith.constant 0 : i32
      %dma_wait3A_292 = tpu.memref_slice %arg2[%dma_wait3A_290, %dma_wait3A_291] : memref<100000x128xf32, #tpu.memory_space<hbm>> -> memref<100000x128xf32, #tpu.memory_space<hbm>>
      tpu.wait_indirect_dma semaphore(%arg12 : memref<!tpu.dma_semaphore, #tpu.memory_space<semaphore_mem>>) src(%dma_wait3A_292 : memref<100000x128xf32, #tpu.memory_space<hbm>>) dst(%dma_wait3A_286 : memref<64x128xf32, #tpu.memory_space<vmem>>)
      %dma_wait3A_293 = arith.constant 0 : i32
      %dma_wait3A_294 = arith.constant 2 : i32
      %dma_wait3A_295 = arith.constant 0 : i32
      %dma_wait3A_296 = arith.constant 0 : i32
      %dma_wait3A_297 = tpu.memref_slice %arg9[%dma_wait3A_294, %dma_wait3A_295, %dma_wait3A_296] : memref<4x64x128xf32, #tpu.memory_space<vmem>> -> memref<1x64x128xf32, #tpu.memory_space<vmem>>
      %dma_wait3A_298 = tpu.memref_squeeze %dma_wait3A_297 : memref<1x64x128xf32, #tpu.memory_space<vmem>> -> memref<64x128xf32, #tpu.memory_space<vmem>>
      %dma_wait3A_299 = arith.constant 0 : i32
      %dma_wait3A_300 = tpu.memref_slice %arg7[%dma_wait3A_293, %add3A_280, %dma_wait3A_299] : memref<1x100x64xi32, #tpu.memory_space<vmem>> -> memref<1x1x64xi32, #tpu.memory_space<vmem>>
      %dma_wait3A_301 = tpu.memref_squeeze %dma_wait3A_300 : memref<1x1x64xi32, #tpu.memory_space<vmem>> -> memref<64xi32, #tpu.memory_space<vmem>>
      %dma_wait3A_302 = arith.constant 0 : i32
      %dma_wait3A_303 = arith.constant 0 : i32
      %dma_wait3A_304 = tpu.memref_slice %arg2[%dma_wait3A_302, %dma_wait3A_303] : memref<100000x128xf32, #tpu.memory_space<hbm>> -> memref<100000x128xf32, #tpu.memory_space<hbm>>
      tpu.wait_indirect_dma semaphore(%arg12 : memref<!tpu.dma_semaphore, #tpu.memory_space<semaphore_mem>>) src(%dma_wait3A_304 : memref<100000x128xf32, #tpu.memory_space<hbm>>) dst(%dma_wait3A_298 : memref<64x128xf32, #tpu.memory_space<vmem>>)
      %scan3A_305 = arith.constant 0 : i32
      %scan3A_306 = arith.constant 0 : i32
      %scan3A_307 = arith.constant 32 : i32
      %scan3A_308 = arith.addi %scan3A_306, %scan3A_307 : i32
      %scan3A_309 = arith.constant 1 : i32
      scf.for %scan3A_420 = %scan3A_306 to %scan3A_308 step %scan3A_309  : i32 {
        %mul3A_421 = arith.constant 2 : i32
        %mul3A_422 = arith.muli %mul3A_421, %scan3A_420 : i32
        %add3A_423 = arith.constant 0 : i32
        %add3A_424 = arith.addi %mul3A_422, %add3A_423 : i32
        %get3A = arith.constant 2 : i32
        %get3A_425 = arith.index_cast %get3A : i32 to index
        %get3A_426 = arith.index_cast %add3A_424 : i32 to index
        %get3A_427 = arith.constant 64 : index
        %get3A_428 = tpu.vector_load %arg9[%get3A_425, %get3A_426, %get3A_427] {strides = array<i32>} : memref<4x64x128xf32, #tpu.memory_space<vmem>>, vector<1x1x16xf32>,
        %get3A_429 = vector.shape_cast %get3A_428 : vector<1x1x16xf32> to vector<16xf32>
        %mul3A_430 = arith.constant 2 : i32
        %mul3A_431 = arith.muli %mul3A_430, %scan3A_420 : i32
        %add3A_432 = arith.constant 0 : i32
        %add3A_433 = arith.addi %mul3A_431, %add3A_432 : i32
        %swap3A = arith.constant 2 : i32
        %swap3A_434 = arith.index_cast %swap3A : i32 to index
        %swap3A_435 = arith.index_cast %add3A_433 : i32 to index
        %swap3A_436 = arith.constant 64 : index
        %swap3A_437 = tpu.vector_load %arg8[%swap3A_434, %swap3A_435, %swap3A_436] {strides = array<i32>} : memref<4x64x128xf32, #tpu.memory_space<vmem>>, vector<1x1x16xf32>,
        %swap3A_438 = vector.shape_cast %swap3A_437 : vector<1x1x16xf32> to vector<16xf32>
        %swap3A_439 = vector.shape_cast %get3A_429 : vector<16xf32> to vector<1x1x16xf32>
        tpu.vector_store %arg8[%swap3A_434, %swap3A_435, %swap3A_436], %swap3A_439 {strides = array<i32>} : memref<4x64x128xf32, #tpu.memory_space<vmem>>, vector<1x1x16xf32>,
        %mul3A_440 = arith.constant 2 : i32
        %mul3A_441 = arith.muli %mul3A_440, %scan3A_420 : i32
        %add3A_442 = arith.constant 0 : i32
        %add3A_443 = arith.addi %mul3A_441, %add3A_442 : i32
        %get3A_444 = arith.constant 2 : i32
        %get3A_445 = arith.index_cast %get3A_444 : i32 to index
        %get3A_446 = arith.index_cast %add3A_443 : i32 to index
        %get3A_447 = arith.constant 80 : index
        %get3A_448 = tpu.vector_load %arg9[%get3A_445, %get3A_446, %get3A_447] {strides = array<i32>} : memref<4x64x128xf32, #tpu.memory_space<vmem>>, vector<1x1x16xf32>,
        %get3A_449 = vector.shape_cast %get3A_448 : vector<1x1x16xf32> to vector<16xf32>
        %mul3A_450 = arith.constant 2 : i32
        %mul3A_451 = arith.muli %mul3A_450, %scan3A_420 : i32
        %add3A_452 = arith.constant 0 : i32
        %add3A_453 = arith.addi %mul3A_451, %add3A_452 : i32
        %swap3A_454 = arith.constant 2 : i32
        %swap3A_455 = arith.index_cast %swap3A_454 : i32 to index
        %swap3A_456 = arith.index_cast %add3A_453 : i32 to index
        %swap3A_457 = arith.constant 80 : index
        %swap3A_458 = tpu.vector_load %arg8[%swap3A_455, %swap3A_456, %swap3A_457] {strides = array<i32>} : memref<4x64x128xf32, #tpu.memory_space<vmem>>, vector<1x1x16xf32>,
        %swap3A_459 = vector.shape_cast %swap3A_458 : vector<1x1x16xf32> to vector<16xf32>
        %swap3A_460 = vector.shape_cast %get3A_449 : vector<16xf32> to vector<1x1x16xf32>
        tpu.vector_store %arg8[%swap3A_455, %swap3A_456, %swap3A_457], %swap3A_460 {strides = array<i32>} : memref<4x64x128xf32, #tpu.memory_space<vmem>>, vector<1x1x16xf32>,
        %mul3A_461 = arith.constant 2 : i32
        %mul3A_462 = arith.muli %mul3A_461, %scan3A_420 : i32
        %add3A_463 = arith.constant 0 : i32
        %add3A_464 = arith.addi %mul3A_462, %add3A_463 : i32
        %get3A_465 = arith.constant 2 : i32
        %get3A_466 = arith.index_cast %get3A_465 : i32 to index
        %get3A_467 = arith.index_cast %add3A_464 : i32 to index
        %get3A_468 = arith.constant 96 : index
        %get3A_469 = tpu.vector_load %arg9[%get3A_466, %get3A_467, %get3A_468] {strides = array<i32>} : memref<4x64x128xf32, #tpu.memory_space<vmem>>, vector<1x1x16xf32>,
        %get3A_470 = vector.shape_cast %get3A_469 : vector<1x1x16xf32> to vector<16xf32>
        %mul3A_471 = arith.constant 2 : i32
        %mul3A_472 = arith.muli %mul3A_471, %scan3A_420 : i32
        %add3A_473 = arith.constant 0 : i32
        %add3A_474 = arith.addi %mul3A_472, %add3A_473 : i32
        %swap3A_475 = arith.constant 2 : i32
        %swap3A_476 = arith.index_cast %swap3A_475 : i32 to index
        %swap3A_477 = arith.index_cast %add3A_474 : i32 to index
        %swap3A_478 = arith.constant 96 : index
        %swap3A_479 = tpu.vector_load %arg8[%swap3A_476, %swap3A_477, %swap3A_478] {strides = array<i32>} : memref<4x64x128xf32, #tpu.memory_space<vmem>>, vector<1x1x16xf32>,
        %swap3A_480 = vector.shape_cast %swap3A_479 : vector<1x1x16xf32> to vector<16xf32>
        %swap3A_481 = vector.shape_cast %get3A_470 : vector<16xf32> to vector<1x1x16xf32>
        tpu.vector_store %arg8[%swap3A_476, %swap3A_477, %swap3A_478], %swap3A_481 {strides = array<i32>} : memref<4x64x128xf32, #tpu.memory_space<vmem>>, vector<1x1x16xf32>,
        %mul3A_482 = arith.constant 2 : i32
        %mul3A_483 = arith.muli %mul3A_482, %scan3A_420 : i32
        %add3A_484 = arith.constant 0 : i32
        %add3A_485 = arith.addi %mul3A_483, %add3A_484 : i32
        %get3A_486 = arith.constant 2 : i32
        %get3A_487 = arith.index_cast %get3A_486 : i32 to index
        %get3A_488 = arith.index_cast %add3A_485 : i32 to index
        %get3A_489 = arith.constant 112 : index
        %get3A_490 = tpu.vector_load %arg9[%get3A_487, %get3A_488, %get3A_489] {strides = array<i32>} : memref<4x64x128xf32, #tpu.memory_space<vmem>>, vector<1x1x16xf32>,
        %get3A_491 = vector.shape_cast %get3A_490 : vector<1x1x16xf32> to vector<16xf32>
        %mul3A_492 = arith.constant 2 : i32
        %mul3A_493 = arith.muli %mul3A_492, %scan3A_420 : i32
        %add3A_494 = arith.constant 0 : i32
        %add3A_495 = arith.addi %mul3A_493, %add3A_494 : i32
        %swap3A_496 = arith.constant 2 : i32
        %swap3A_497 = arith.index_cast %swap3A_496 : i32 to index
        %swap3A_498 = arith.index_cast %add3A_495 : i32 to index
        %swap3A_499 = arith.constant 112 : index
        %swap3A_500 = tpu.vector_load %arg8[%swap3A_497, %swap3A_498, %swap3A_499] {strides = array<i32>} : memref<4x64x128xf32, #tpu.memory_space<vmem>>, vector<1x1x16xf32>,
        %swap3A_501 = vector.shape_cast %swap3A_500 : vector<1x1x16xf32> to vector<16xf32>
        %swap3A_502 = vector.shape_cast %get3A_491 : vector<16xf32> to vector<1x1x16xf32>
        tpu.vector_store %arg8[%swap3A_497, %swap3A_498, %swap3A_499], %swap3A_502 {strides = array<i32>} : memref<4x64x128xf32, #tpu.memory_space<vmem>>, vector<1x1x16xf32>,
        %mul3A_503 = arith.constant 2 : i32
        %mul3A_504 = arith.muli %mul3A_503, %scan3A_420 : i32
        %add3A_505 = arith.constant 1 : i32
        %add3A_506 = arith.addi %mul3A_504, %add3A_505 : i32
        %get3A_507 = arith.constant 2 : i32
        %get3A_508 = arith.index_cast %get3A_507 : i32 to index
        %get3A_509 = arith.index_cast %add3A_506 : i32 to index
        %get3A_510 = arith.constant 64 : index
        %get3A_511 = tpu.vector_load %arg9[%get3A_508, %get3A_509, %get3A_510] {strides = array<i32>} : memref<4x64x128xf32, #tpu.memory_space<vmem>>, vector<1x1x16xf32>,
        %get3A_512 = vector.shape_cast %get3A_511 : vector<1x1x16xf32> to vector<16xf32>
        %mul3A_513 = arith.constant 2 : i32
        %mul3A_514 = arith.muli %mul3A_513, %scan3A_420 : i32
        %add3A_515 = arith.constant 1 : i32
        %add3A_516 = arith.addi %mul3A_514, %add3A_515 : i32
        %swap3A_517 = arith.constant 2 : i32
        %swap3A_518 = arith.index_cast %swap3A_517 : i32 to index
        %swap3A_519 = arith.index_cast %add3A_516 : i32 to index
        %swap3A_520 = arith.constant 64 : index
        %swap3A_521 = tpu.vector_load %arg8[%swap3A_518, %swap3A_519, %swap3A_520] {strides = array<i32>} : memref<4x64x128xf32, #tpu.memory_space<vmem>>, vector<1x1x16xf32>,
        %swap3A_522 = vector.shape_cast %swap3A_521 : vector<1x1x16xf32> to vector<16xf32>
        %swap3A_523 = vector.shape_cast %get3A_512 : vector<16xf32> to vector<1x1x16xf32>
        tpu.vector_store %arg8[%swap3A_518, %swap3A_519, %swap3A_520], %swap3A_523 {strides = array<i32>} : memref<4x64x128xf32, #tpu.memory_space<vmem>>, vector<1x1x16xf32>,
        %mul3A_524 = arith.constant 2 : i32
        %mul3A_525 = arith.muli %mul3A_524, %scan3A_420 : i32
        %add3A_526 = arith.constant 1 : i32
        %add3A_527 = arith.addi %mul3A_525, %add3A_526 : i32
        %get3A_528 = arith.constant 2 : i32
        %get3A_529 = arith.index_cast %get3A_528 : i32 to index
        %get3A_530 = arith.index_cast %add3A_527 : i32 to index
        %get3A_531 = arith.constant 80 : index
        %get3A_532 = tpu.vector_load %arg9[%get3A_529, %get3A_530, %get3A_531] {strides = array<i32>} : memref<4x64x128xf32, #tpu.memory_space<vmem>>, vector<1x1x16xf32>,
        %get3A_533 = vector.shape_cast %get3A_532 : vector<1x1x16xf32> to vector<16xf32>
        %mul3A_534 = arith.constant 2 : i32
        %mul3A_535 = arith.muli %mul3A_534, %scan3A_420 : i32
        %add3A_536 = arith.constant 1 : i32
        %add3A_537 = arith.addi %mul3A_535, %add3A_536 : i32
        %swap3A_538 = arith.constant 2 : i32
        %swap3A_539 = arith.index_cast %swap3A_538 : i32 to index
        %swap3A_540 = arith.index_cast %add3A_537 : i32 to index
        %swap3A_541 = arith.constant 80 : index
        %swap3A_542 = tpu.vector_load %arg8[%swap3A_539, %swap3A_540, %swap3A_541] {strides = array<i32>} : memref<4x64x128xf32, #tpu.memory_space<vmem>>, vector<1x1x16xf32>,
        %swap3A_543 = vector.shape_cast %swap3A_542 : vector<1x1x16xf32> to vector<16xf32>
        %swap3A_544 = vector.shape_cast %get3A_533 : vector<16xf32> to vector<1x1x16xf32>
        tpu.vector_store %arg8[%swap3A_539, %swap3A_540, %swap3A_541], %swap3A_544 {strides = array<i32>} : memref<4x64x128xf32, #tpu.memory_space<vmem>>, vector<1x1x16xf32>,
        %mul3A_545 = arith.constant 2 : i32
        %mul3A_546 = arith.muli %mul3A_545, %scan3A_420 : i32
        %add3A_547 = arith.constant 1 : i32
        %add3A_548 = arith.addi %mul3A_546, %add3A_547 : i32
        %get3A_549 = arith.constant 2 : i32
        %get3A_550 = arith.index_cast %get3A_549 : i32 to index
        %get3A_551 = arith.index_cast %add3A_548 : i32 to index
        %get3A_552 = arith.constant 96 : index
        %get3A_553 = tpu.vector_load %arg9[%get3A_550, %get3A_551, %get3A_552] {strides = array<i32>} : memref<4x64x128xf32, #tpu.memory_space<vmem>>, vector<1x1x16xf32>,
        %get3A_554 = vector.shape_cast %get3A_553 : vector<1x1x16xf32> to vector<16xf32>
        %mul3A_555 = arith.constant 2 : i32
        %mul3A_556 = arith.muli %mul3A_555, %scan3A_420 : i32
        %add3A_557 = arith.constant 1 : i32
        %add3A_558 = arith.addi %mul3A_556, %add3A_557 : i32
        %swap3A_559 = arith.constant 2 : i32
        %swap3A_560 = arith.index_cast %swap3A_559 : i32 to index
        %swap3A_561 = arith.index_cast %add3A_558 : i32 to index
        %swap3A_562 = arith.constant 96 : index
        %swap3A_563 = tpu.vector_load %arg8[%swap3A_560, %swap3A_561, %swap3A_562] {strides = array<i32>} : memref<4x64x128xf32, #tpu.memory_space<vmem>>, vector<1x1x16xf32>,
        %swap3A_564 = vector.shape_cast %swap3A_563 : vector<1x1x16xf32> to vector<16xf32>
        %swap3A_565 = vector.shape_cast %get3A_554 : vector<16xf32> to vector<1x1x16xf32>
        tpu.vector_store %arg8[%swap3A_560, %swap3A_561, %swap3A_562], %swap3A_565 {strides = array<i32>} : memref<4x64x128xf32, #tpu.memory_space<vmem>>, vector<1x1x16xf32>,
        %mul3A_566 = arith.constant 2 : i32
        %mul3A_567 = arith.muli %mul3A_566, %scan3A_420 : i32
        %add3A_568 = arith.constant 1 : i32
        %add3A_569 = arith.addi %mul3A_567, %add3A_568 : i32
        %get3A_570 = arith.constant 2 : i32
        %get3A_571 = arith.index_cast %get3A_570 : i32 to index
        %get3A_572 = arith.index_cast %add3A_569 : i32 to index
        %get3A_573 = arith.constant 112 : index
        %get3A_574 = tpu.vector_load %arg9[%get3A_571, %get3A_572, %get3A_573] {strides = array<i32>} : memref<4x64x128xf32, #tpu.memory_space<vmem>>, vector<1x1x16xf32>,
        %get3A_575 = vector.shape_cast %get3A_574 : vector<1x1x16xf32> to vector<16xf32>
        %mul3A_576 = arith.constant 2 : i32
        %mul3A_577 = arith.muli %mul3A_576, %scan3A_420 : i32
        %add3A_578 = arith.constant 1 : i32
        %add3A_579 = arith.addi %mul3A_577, %add3A_578 : i32
        %swap3A_580 = arith.constant 2 : i32
        %swap3A_581 = arith.index_cast %swap3A_580 : i32 to index
        %swap3A_582 = arith.index_cast %add3A_579 : i32 to index
        %swap3A_583 = arith.constant 112 : index
        %swap3A_584 = tpu.vector_load %arg8[%swap3A_581, %swap3A_582, %swap3A_583] {strides = array<i32>} : memref<4x64x128xf32, #tpu.memory_space<vmem>>, vector<1x1x16xf32>,
        %swap3A_585 = vector.shape_cast %swap3A_584 : vector<1x1x16xf32> to vector<16xf32>
        %swap3A_586 = vector.shape_cast %get3A_575 : vector<16xf32> to vector<1x1x16xf32>
        tpu.vector_store %arg8[%swap3A_581, %swap3A_582, %swap3A_583], %swap3A_586 {strides = array<i32>} : memref<4x64x128xf32, #tpu.memory_space<vmem>>, vector<1x1x16xf32>,
      }
      %scan3A_310 = arith.constant 32 : i32
      %mul3A_311 = arith.constant 64 : i32
      %mul3A_312 = arith.muli %add3A_280, %mul3A_311 : i32
      %add3A_313 = arith.addi %multiple_of3A, %mul3A_312 : i32
      %multiple_of3A_314 = tpu.assume_multiple %add3A_313, 64 : i32
      %dma_start3A_315 = arith.constant 2 : i32
      %dma_start3A_316 = arith.constant 0 : i32
      %dma_start3A_317 = arith.constant 0 : i32
      %dma_start3A_318 = tpu.memref_slice %arg8[%dma_start3A_315, %dma_start3A_316, %dma_start3A_317] : memref<4x64x128xf32, #tpu.memory_space<vmem>> -> memref<1x64x128xf32, #tpu.memory_space<vmem>>
      %dma_start3A_319 = tpu.memref_squeeze %dma_start3A_318 : memref<1x64x128xf32, #tpu.memory_space<vmem>> -> memref<64x128xf32, #tpu.memory_space<vmem>>
      %dma_start3A_320 = arith.constant 0 : i32
      %dma_start3A_321 = tpu.memref_slice %arg5[%multiple_of3A_314, %dma_start3A_320] : memref<204800x128xf32, #tpu.memory_space<hbm>> -> memref<64x128xf32, #tpu.memory_space<hbm>>
      %dma_start3A_322 = arith.constant 0 : i32
      %dma_start3A_323 = tpu.memref_slice %arg5[%multiple_of3A_314, %dma_start3A_322] : memref<204800x128xf32, #tpu.memory_space<hbm>> -> memref<64x128xf32, #tpu.memory_space<hbm>>
      %dma_start3A_324 = arith.constant 0 : i32
      %dma_start3A_325 = arith.constant 0 : i32
      %dma_start3A_326 = tpu.memref_slice %arg8[%dma_start3A_315, %dma_start3A_324, %dma_start3A_325] : memref<4x64x128xf32, #tpu.memory_space<vmem>> -> memref<1x64x128xf32, #tpu.memory_space<vmem>>
      %dma_start3A_327 = tpu.memref_squeeze %dma_start3A_326 : memref<1x64x128xf32, #tpu.memory_space<vmem>> -> memref<64x128xf32, #tpu.memory_space<vmem>>
      tpu.enqueue_dma source(%dma_start3A_327 : memref<64x128xf32, #tpu.memory_space<vmem>>) target(%dma_start3A_323 : memref<64x128xf32, #tpu.memory_space<hbm>>) target_semaphore(%arg16 : memref<!tpu.dma_semaphore, #tpu.memory_space<semaphore_mem>>)
      %mul3A_328 = arith.constant 4 : i32
      %mul3A_329 = arith.muli %scan3A_174, %mul3A_328 : i32
      %add3A_330 = arith.constant 3 : i32
      %add3A_331 = arith.addi %mul3A_329, %add3A_330 : i32
      %dma_wait3A_332 = arith.constant 0 : i32
      %dma_wait3A_333 = arith.constant 3 : i32
      %dma_wait3A_334 = arith.constant 0 : i32
      %dma_wait3A_335 = arith.constant 0 : i32
      %dma_wait3A_336 = tpu.memref_slice %arg8[%dma_wait3A_333, %dma_wait3A_334, %dma_wait3A_335] : memref<4x64x128xf32, #tpu.memory_space<vmem>> -> memref<1x64x128xf32, #tpu.memory_space<vmem>>
      %dma_wait3A_337 = tpu.memref_squeeze %dma_wait3A_336 : memref<1x64x128xf32, #tpu.memory_space<vmem>> -> memref<64x128xf32, #tpu.memory_space<vmem>>
      %dma_wait3A_338 = arith.constant 0 : i32
      %dma_wait3A_339 = tpu.memref_slice %arg6[%dma_wait3A_332, %add3A_331, %dma_wait3A_338] : memref<1x100x64xi32, #tpu.memory_space<vmem>> -> memref<1x1x64xi32, #tpu.memory_space<vmem>>
      %dma_wait3A_340 = tpu.memref_squeeze %dma_wait3A_339 : memref<1x1x64xi32, #tpu.memory_space<vmem>> -> memref<64xi32, #tpu.memory_space<vmem>>
      %dma_wait3A_341 = arith.constant 0 : i32
      %dma_wait3A_342 = arith.constant 0 : i32
      %dma_wait3A_343 = tpu.memref_slice %arg2[%dma_wait3A_341, %dma_wait3A_342] : memref<100000x128xf32, #tpu.memory_space<hbm>> -> memref<100000x128xf32, #tpu.memory_space<hbm>>
      tpu.wait_indirect_dma semaphore(%arg13 : memref<!tpu.dma_semaphore, #tpu.memory_space<semaphore_mem>>) src(%dma_wait3A_343 : memref<100000x128xf32, #tpu.memory_space<hbm>>) dst(%dma_wait3A_337 : memref<64x128xf32, #tpu.memory_space<vmem>>)
      %dma_wait3A_344 = arith.constant 0 : i32
      %dma_wait3A_345 = arith.constant 3 : i32
      %dma_wait3A_346 = arith.constant 0 : i32
      %dma_wait3A_347 = arith.constant 0 : i32
      %dma_wait3A_348 = tpu.memref_slice %arg9[%dma_wait3A_345, %dma_wait3A_346, %dma_wait3A_347] : memref<4x64x128xf32, #tpu.memory_space<vmem>> -> memref<1x64x128xf32, #tpu.memory_space<vmem>>
      %dma_wait3A_349 = tpu.memref_squeeze %dma_wait3A_348 : memref<1x64x128xf32, #tpu.memory_space<vmem>> -> memref<64x128xf32, #tpu.memory_space<vmem>>
      %dma_wait3A_350 = arith.constant 0 : i32
      %dma_wait3A_351 = tpu.memref_slice %arg7[%dma_wait3A_344, %add3A_331, %dma_wait3A_350] : memref<1x100x64xi32, #tpu.memory_space<vmem>> -> memref<1x1x64xi32, #tpu.memory_space<vmem>>
      %dma_wait3A_352 = tpu.memref_squeeze %dma_wait3A_351 : memref<1x1x64xi32, #tpu.memory_space<vmem>> -> memref<64xi32, #tpu.memory_space<vmem>>
      %dma_wait3A_353 = arith.constant 0 : i32
      %dma_wait3A_354 = arith.constant 0 : i32
      %dma_wait3A_355 = tpu.memref_slice %arg2[%dma_wait3A_353, %dma_wait3A_354] : memref<100000x128xf32, #tpu.memory_space<hbm>> -> memref<100000x128xf32, #tpu.memory_space<hbm>>
      tpu.wait_indirect_dma semaphore(%arg13 : memref<!tpu.dma_semaphore, #tpu.memory_space<semaphore_mem>>) src(%dma_wait3A_355 : memref<100000x128xf32, #tpu.memory_space<hbm>>) dst(%dma_wait3A_349 : memref<64x128xf32, #tpu.memory_space<vmem>>)
      %scan3A_356 = arith.constant 0 : i32
      %scan3A_357 = arith.constant 0 : i32
      %scan3A_358 = arith.constant 32 : i32
      %scan3A_359 = arith.addi %scan3A_357, %scan3A_358 : i32
      %scan3A_360 = arith.constant 1 : i32
      scf.for %scan3A_420 = %scan3A_357 to %scan3A_359 step %scan3A_360  : i32 {
        %mul3A_421 = arith.constant 2 : i32
        %mul3A_422 = arith.muli %mul3A_421, %scan3A_420 : i32
        %add3A_423 = arith.constant 0 : i32
        %add3A_424 = arith.addi %mul3A_422, %add3A_423 : i32
        %get3A = arith.constant 3 : i32
        %get3A_425 = arith.index_cast %get3A : i32 to index
        %get3A_426 = arith.index_cast %add3A_424 : i32 to index
        %get3A_427 = arith.constant 64 : index
        %get3A_428 = tpu.vector_load %arg9[%get3A_425, %get3A_426, %get3A_427] {strides = array<i32>} : memref<4x64x128xf32, #tpu.memory_space<vmem>>, vector<1x1x16xf32>,
        %get3A_429 = vector.shape_cast %get3A_428 : vector<1x1x16xf32> to vector<16xf32>
        %mul3A_430 = arith.constant 2 : i32
        %mul3A_431 = arith.muli %mul3A_430, %scan3A_420 : i32
        %add3A_432 = arith.constant 0 : i32
        %add3A_433 = arith.addi %mul3A_431, %add3A_432 : i32
        %swap3A = arith.constant 3 : i32
        %swap3A_434 = arith.index_cast %swap3A : i32 to index
        %swap3A_435 = arith.index_cast %add3A_433 : i32 to index
        %swap3A_436 = arith.constant 64 : index
        %swap3A_437 = tpu.vector_load %arg8[%swap3A_434, %swap3A_435, %swap3A_436] {strides = array<i32>} : memref<4x64x128xf32, #tpu.memory_space<vmem>>, vector<1x1x16xf32>,
        %swap3A_438 = vector.shape_cast %swap3A_437 : vector<1x1x16xf32> to vector<16xf32>
        %swap3A_439 = vector.shape_cast %get3A_429 : vector<16xf32> to vector<1x1x16xf32>
        tpu.vector_store %arg8[%swap3A_434, %swap3A_435, %swap3A_436], %swap3A_439 {strides = array<i32>} : memref<4x64x128xf32, #tpu.memory_space<vmem>>, vector<1x1x16xf32>,
        %mul3A_440 = arith.constant 2 : i32
        %mul3A_441 = arith.muli %mul3A_440, %scan3A_420 : i32
        %add3A_442 = arith.constant 0 : i32
        %add3A_443 = arith.addi %mul3A_441, %add3A_442 : i32
        %get3A_444 = arith.constant 3 : i32
        %get3A_445 = arith.index_cast %get3A_444 : i32 to index
        %get3A_446 = arith.index_cast %add3A_443 : i32 to index
        %get3A_447 = arith.constant 80 : index
        %get3A_448 = tpu.vector_load %arg9[%get3A_445, %get3A_446, %get3A_447] {strides = array<i32>} : memref<4x64x128xf32, #tpu.memory_space<vmem>>, vector<1x1x16xf32>,
        %get3A_449 = vector.shape_cast %get3A_448 : vector<1x1x16xf32> to vector<16xf32>
        %mul3A_450 = arith.constant 2 : i32
        %mul3A_451 = arith.muli %mul3A_450, %scan3A_420 : i32
        %add3A_452 = arith.constant 0 : i32
        %add3A_453 = arith.addi %mul3A_451, %add3A_452 : i32
        %swap3A_454 = arith.constant 3 : i32
        %swap3A_455 = arith.index_cast %swap3A_454 : i32 to index
        %swap3A_456 = arith.index_cast %add3A_453 : i32 to index
        %swap3A_457 = arith.constant 80 : index
        %swap3A_458 = tpu.vector_load %arg8[%swap3A_455, %swap3A_456, %swap3A_457] {strides = array<i32>} : memref<4x64x128xf32, #tpu.memory_space<vmem>>, vector<1x1x16xf32>,
        %swap3A_459 = vector.shape_cast %swap3A_458 : vector<1x1x16xf32> to vector<16xf32>
        %swap3A_460 = vector.shape_cast %get3A_449 : vector<16xf32> to vector<1x1x16xf32>
        tpu.vector_store %arg8[%swap3A_455, %swap3A_456, %swap3A_457], %swap3A_460 {strides = array<i32>} : memref<4x64x128xf32, #tpu.memory_space<vmem>>, vector<1x1x16xf32>,
        %mul3A_461 = arith.constant 2 : i32
        %mul3A_462 = arith.muli %mul3A_461, %scan3A_420 : i32
        %add3A_463 = arith.constant 0 : i32
        %add3A_464 = arith.addi %mul3A_462, %add3A_463 : i32
        %get3A_465 = arith.constant 3 : i32
        %get3A_466 = arith.index_cast %get3A_465 : i32 to index
        %get3A_467 = arith.index_cast %add3A_464 : i32 to index
        %get3A_468 = arith.constant 96 : index
        %get3A_469 = tpu.vector_load %arg9[%get3A_466, %get3A_467, %get3A_468] {strides = array<i32>} : memref<4x64x128xf32, #tpu.memory_space<vmem>>, vector<1x1x16xf32>,
        %get3A_470 = vector.shape_cast %get3A_469 : vector<1x1x16xf32> to vector<16xf32>
        %mul3A_471 = arith.constant 2 : i32
        %mul3A_472 = arith.muli %mul3A_471, %scan3A_420 : i32
        %add3A_473 = arith.constant 0 : i32
        %add3A_474 = arith.addi %mul3A_472, %add3A_473 : i32
        %swap3A_475 = arith.constant 3 : i32
        %swap3A_476 = arith.index_cast %swap3A_475 : i32 to index
        %swap3A_477 = arith.index_cast %add3A_474 : i32 to index
        %swap3A_478 = arith.constant 96 : index
        %swap3A_479 = tpu.vector_load %arg8[%swap3A_476, %swap3A_477, %swap3A_478] {strides = array<i32>} : memref<4x64x128xf32, #tpu.memory_space<vmem>>, vector<1x1x16xf32>,
        %swap3A_480 = vector.shape_cast %swap3A_479 : vector<1x1x16xf32> to vector<16xf32>
        %swap3A_481 = vector.shape_cast %get3A_470 : vector<16xf32> to vector<1x1x16xf32>
        tpu.vector_store %arg8[%swap3A_476, %swap3A_477, %swap3A_478], %swap3A_481 {strides = array<i32>} : memref<4x64x128xf32, #tpu.memory_space<vmem>>, vector<1x1x16xf32>,
        %mul3A_482 = arith.constant 2 : i32
        %mul3A_483 = arith.muli %mul3A_482, %scan3A_420 : i32
        %add3A_484 = arith.constant 0 : i32
        %add3A_485 = arith.addi %mul3A_483, %add3A_484 : i32
        %get3A_486 = arith.constant 3 : i32
        %get3A_487 = arith.index_cast %get3A_486 : i32 to index
        %get3A_488 = arith.index_cast %add3A_485 : i32 to index
        %get3A_489 = arith.constant 112 : index
        %get3A_490 = tpu.vector_load %arg9[%get3A_487, %get3A_488, %get3A_489] {strides = array<i32>} : memref<4x64x128xf32, #tpu.memory_space<vmem>>, vector<1x1x16xf32>,
        %get3A_491 = vector.shape_cast %get3A_490 : vector<1x1x16xf32> to vector<16xf32>
        %mul3A_492 = arith.constant 2 : i32
        %mul3A_493 = arith.muli %mul3A_492, %scan3A_420 : i32
        %add3A_494 = arith.constant 0 : i32
        %add3A_495 = arith.addi %mul3A_493, %add3A_494 : i32
        %swap3A_496 = arith.constant 3 : i32
        %swap3A_497 = arith.index_cast %swap3A_496 : i32 to index
        %swap3A_498 = arith.index_cast %add3A_495 : i32 to index
        %swap3A_499 = arith.constant 112 : index
        %swap3A_500 = tpu.vector_load %arg8[%swap3A_497, %swap3A_498, %swap3A_499] {strides = array<i32>} : memref<4x64x128xf32, #tpu.memory_space<vmem>>, vector<1x1x16xf32>,
        %swap3A_501 = vector.shape_cast %swap3A_500 : vector<1x1x16xf32> to vector<16xf32>
        %swap3A_502 = vector.shape_cast %get3A_491 : vector<16xf32> to vector<1x1x16xf32>
        tpu.vector_store %arg8[%swap3A_497, %swap3A_498, %swap3A_499], %swap3A_502 {strides = array<i32>} : memref<4x64x128xf32, #tpu.memory_space<vmem>>, vector<1x1x16xf32>,
        %mul3A_503 = arith.constant 2 : i32
        %mul3A_504 = arith.muli %mul3A_503, %scan3A_420 : i32
        %add3A_505 = arith.constant 1 : i32
        %add3A_506 = arith.addi %mul3A_504, %add3A_505 : i32
        %get3A_507 = arith.constant 3 : i32
        %get3A_508 = arith.index_cast %get3A_507 : i32 to index
        %get3A_509 = arith.index_cast %add3A_506 : i32 to index
        %get3A_510 = arith.constant 64 : index
        %get3A_511 = tpu.vector_load %arg9[%get3A_508, %get3A_509, %get3A_510] {strides = array<i32>} : memref<4x64x128xf32, #tpu.memory_space<vmem>>, vector<1x1x16xf32>,
        %get3A_512 = vector.shape_cast %get3A_511 : vector<1x1x16xf32> to vector<16xf32>
        %mul3A_513 = arith.constant 2 : i32
        %mul3A_514 = arith.muli %mul3A_513, %scan3A_420 : i32
        %add3A_515 = arith.constant 1 : i32
        %add3A_516 = arith.addi %mul3A_514, %add3A_515 : i32
        %swap3A_517 = arith.constant 3 : i32
        %swap3A_518 = arith.index_cast %swap3A_517 : i32 to index
        %swap3A_519 = arith.index_cast %add3A_516 : i32 to index
        %swap3A_520 = arith.constant 64 : index
        %swap3A_521 = tpu.vector_load %arg8[%swap3A_518, %swap3A_519, %swap3A_520] {strides = array<i32>} : memref<4x64x128xf32, #tpu.memory_space<vmem>>, vector<1x1x16xf32>,
        %swap3A_522 = vector.shape_cast %swap3A_521 : vector<1x1x16xf32> to vector<16xf32>
        %swap3A_523 = vector.shape_cast %get3A_512 : vector<16xf32> to vector<1x1x16xf32>
        tpu.vector_store %arg8[%swap3A_518, %swap3A_519, %swap3A_520], %swap3A_523 {strides = array<i32>} : memref<4x64x128xf32, #tpu.memory_space<vmem>>, vector<1x1x16xf32>,
        %mul3A_524 = arith.constant 2 : i32
        %mul3A_525 = arith.muli %mul3A_524, %scan3A_420 : i32
        %add3A_526 = arith.constant 1 : i32
        %add3A_527 = arith.addi %mul3A_525, %add3A_526 : i32
        %get3A_528 = arith.constant 3 : i32
        %get3A_529 = arith.index_cast %get3A_528 : i32 to index
        %get3A_530 = arith.index_cast %add3A_527 : i32 to index
        %get3A_531 = arith.constant 80 : index
        %get3A_532 = tpu.vector_load %arg9[%get3A_529, %get3A_530, %get3A_531] {strides = array<i32>} : memref<4x64x128xf32, #tpu.memory_space<vmem>>, vector<1x1x16xf32>,
        %get3A_533 = vector.shape_cast %get3A_532 : vector<1x1x16xf32> to vector<16xf32>
        %mul3A_534 = arith.constant 2 : i32
        %mul3A_535 = arith.muli %mul3A_534, %scan3A_420 : i32
        %add3A_536 = arith.constant 1 : i32
        %add3A_537 = arith.addi %mul3A_535, %add3A_536 : i32
        %swap3A_538 = arith.constant 3 : i32
        %swap3A_539 = arith.index_cast %swap3A_538 : i32 to index
        %swap3A_540 = arith.index_cast %add3A_537 : i32 to index
        %swap3A_541 = arith.constant 80 : index
        %swap3A_542 = tpu.vector_load %arg8[%swap3A_539, %swap3A_540, %swap3A_541] {strides = array<i32>} : memref<4x64x128xf32, #tpu.memory_space<vmem>>, vector<1x1x16xf32>,
        %swap3A_543 = vector.shape_cast %swap3A_542 : vector<1x1x16xf32> to vector<16xf32>
        %swap3A_544 = vector.shape_cast %get3A_533 : vector<16xf32> to vector<1x1x16xf32>
        tpu.vector_store %arg8[%swap3A_539, %swap3A_540, %swap3A_541], %swap3A_544 {strides = array<i32>} : memref<4x64x128xf32, #tpu.memory_space<vmem>>, vector<1x1x16xf32>,
        %mul3A_545 = arith.constant 2 : i32
        %mul3A_546 = arith.muli %mul3A_545, %scan3A_420 : i32
        %add3A_547 = arith.constant 1 : i32
        %add3A_548 = arith.addi %mul3A_546, %add3A_547 : i32
        %get3A_549 = arith.constant 3 : i32
        %get3A_550 = arith.index_cast %get3A_549 : i32 to index
        %get3A_551 = arith.index_cast %add3A_548 : i32 to index
        %get3A_552 = arith.constant 96 : index
        %get3A_553 = tpu.vector_load %arg9[%get3A_550, %get3A_551, %get3A_552] {strides = array<i32>} : memref<4x64x128xf32, #tpu.memory_space<vmem>>, vector<1x1x16xf32>,
        %get3A_554 = vector.shape_cast %get3A_553 : vector<1x1x16xf32> to vector<16xf32>
        %mul3A_555 = arith.constant 2 : i32
        %mul3A_556 = arith.muli %mul3A_555, %scan3A_420 : i32
        %add3A_557 = arith.constant 1 : i32
        %add3A_558 = arith.addi %mul3A_556, %add3A_557 : i32
        %swap3A_559 = arith.constant 3 : i32
        %swap3A_560 = arith.index_cast %swap3A_559 : i32 to index
        %swap3A_561 = arith.index_cast %add3A_558 : i32 to index
        %swap3A_562 = arith.constant 96 : index
        %swap3A_563 = tpu.vector_load %arg8[%swap3A_560, %swap3A_561, %swap3A_562] {strides = array<i32>} : memref<4x64x128xf32, #tpu.memory_space<vmem>>, vector<1x1x16xf32>,
        %swap3A_564 = vector.shape_cast %swap3A_563 : vector<1x1x16xf32> to vector<16xf32>
        %swap3A_565 = vector.shape_cast %get3A_554 : vector<16xf32> to vector<1x1x16xf32>
        tpu.vector_store %arg8[%swap3A_560, %swap3A_561, %swap3A_562], %swap3A_565 {strides = array<i32>} : memref<4x64x128xf32, #tpu.memory_space<vmem>>, vector<1x1x16xf32>,
        %mul3A_566 = arith.constant 2 : i32
        %mul3A_567 = arith.muli %mul3A_566, %scan3A_420 : i32
        %add3A_568 = arith.constant 1 : i32
        %add3A_569 = arith.addi %mul3A_567, %add3A_568 : i32
        %get3A_570 = arith.constant 3 : i32
        %get3A_571 = arith.index_cast %get3A_570 : i32 to index
        %get3A_572 = arith.index_cast %add3A_569 : i32 to index
        %get3A_573 = arith.constant 112 : index
        %get3A_574 = tpu.vector_load %arg9[%get3A_571, %get3A_572, %get3A_573] {strides = array<i32>} : memref<4x64x128xf32, #tpu.memory_space<vmem>>, vector<1x1x16xf32>,
        %get3A_575 = vector.shape_cast %get3A_574 : vector<1x1x16xf32> to vector<16xf32>
        %mul3A_576 = arith.constant 2 : i32
        %mul3A_577 = arith.muli %mul3A_576, %scan3A_420 : i32
        %add3A_578 = arith.constant 1 : i32
        %add3A_579 = arith.addi %mul3A_577, %add3A_578 : i32
        %swap3A_580 = arith.constant 3 : i32
        %swap3A_581 = arith.index_cast %swap3A_580 : i32 to index
        %swap3A_582 = arith.index_cast %add3A_579 : i32 to index
        %swap3A_583 = arith.constant 112 : index
        %swap3A_584 = tpu.vector_load %arg8[%swap3A_581, %swap3A_582, %swap3A_583] {strides = array<i32>} : memref<4x64x128xf32, #tpu.memory_space<vmem>>, vector<1x1x16xf32>,
        %swap3A_585 = vector.shape_cast %swap3A_584 : vector<1x1x16xf32> to vector<16xf32>
        %swap3A_586 = vector.shape_cast %get3A_575 : vector<16xf32> to vector<1x1x16xf32>
        tpu.vector_store %arg8[%swap3A_581, %swap3A_582, %swap3A_583], %swap3A_586 {strides = array<i32>} : memref<4x64x128xf32, #tpu.memory_space<vmem>>, vector<1x1x16xf32>,
      }
      %scan3A_361 = arith.constant 32 : i32
      %mul3A_362 = arith.constant 64 : i32
      %mul3A_363 = arith.muli %add3A_331, %mul3A_362 : i32
      %add3A_364 = arith.addi %multiple_of3A, %mul3A_363 : i32
      %multiple_of3A_365 = tpu.assume_multiple %add3A_364, 64 : i32
      %dma_start3A_366 = arith.constant 3 : i32
      %dma_start3A_367 = arith.constant 0 : i32
      %dma_start3A_368 = arith.constant 0 : i32
      %dma_start3A_369 = tpu.memref_slice %arg8[%dma_start3A_366, %dma_start3A_367, %dma_start3A_368] : memref<4x64x128xf32, #tpu.memory_space<vmem>> -> memref<1x64x128xf32, #tpu.memory_space<vmem>>
      %dma_start3A_370 = tpu.memref_squeeze %dma_start3A_369 : memref<1x64x128xf32, #tpu.memory_space<vmem>> -> memref<64x128xf32, #tpu.memory_space<vmem>>
      %dma_start3A_371 = arith.constant 0 : i32
      %dma_start3A_372 = tpu.memref_slice %arg5[%multiple_of3A_365, %dma_start3A_371] : memref<204800x128xf32, #tpu.memory_space<hbm>> -> memref<64x128xf32, #tpu.memory_space<hbm>>
      %dma_start3A_373 = arith.constant 0 : i32
      %dma_start3A_374 = tpu.memref_slice %arg5[%multiple_of3A_365, %dma_start3A_373] : memref<204800x128xf32, #tpu.memory_space<hbm>> -> memref<64x128xf32, #tpu.memory_space<hbm>>
      %dma_start3A_375 = arith.constant 0 : i32
      %dma_start3A_376 = arith.constant 0 : i32
      %dma_start3A_377 = tpu.memref_slice %arg8[%dma_start3A_366, %dma_start3A_375, %dma_start3A_376] : memref<4x64x128xf32, #tpu.memory_space<vmem>> -> memref<1x64x128xf32, #tpu.memory_space<vmem>>
      %dma_start3A_378 = tpu.memref_squeeze %dma_start3A_377 : memref<1x64x128xf32, #tpu.memory_space<vmem>> -> memref<64x128xf32, #tpu.memory_space<vmem>>
      tpu.enqueue_dma source(%dma_start3A_378 : memref<64x128xf32, #tpu.memory_space<vmem>>) target(%dma_start3A_374 : memref<64x128xf32, #tpu.memory_space<hbm>>) target_semaphore(%arg17 : memref<!tpu.dma_semaphore, #tpu.memory_space<semaphore_mem>>)
      %add3A_379 = arith.constant 1 : i32
      %add3A_380 = arith.addi %scan3A_174, %add3A_379 : i32
      %mul3A_381 = arith.constant 4 : i32
      %mul3A_382 = arith.muli %add3A_380, %mul3A_381 : i32
      %add3A_383 = arith.constant 0 : i32
      %add3A_384 = arith.addi %mul3A_382, %add3A_383 : i32
      %lt3A = arith.constant 100 : i32
      %lt3A_385 = arith.cmpi slt, %add3A_384, %lt3A : i32
      %convert_element_type3A = arith.extui %lt3A_385 : i1 to i32
      %cond3A = arith.constant 0 : i32
      %cond3A_386 = arith.cmpi ne, %convert_element_type3A, %cond3A : i32
      scf.if %cond3A_386 {
        %mul3A_420 = arith.constant 4 : i32
        %mul3A_421 = arith.muli %scan3A_174, %mul3A_420 : i32
        %add3A_422 = arith.constant 0 : i32
        %add3A_423 = arith.addi %mul3A_421, %add3A_422 : i32
        %mul3A_424 = arith.constant 64 : i32
        %mul3A_425 = arith.muli %add3A_423, %mul3A_424 : i32
        %add3A_426 = arith.addi %multiple_of3A, %mul3A_425 : i32
        %multiple_of3A_427 = tpu.assume_multiple %add3A_426, 64 : i32
        %dma_wait3A_428 = arith.constant 0 : i32
        %dma_wait3A_429 = arith.constant 0 : i32
        %dma_wait3A_430 = arith.constant 0 : i32
        %dma_wait3A_431 = tpu.memref_slice %arg8[%dma_wait3A_428, %dma_wait3A_429, %dma_wait3A_430] : memref<4x64x128xf32, #tpu.memory_space<vmem>> -> memref<1x64x128xf32, #tpu.memory_space<vmem>>
        %dma_wait3A_432 = tpu.memref_squeeze %dma_wait3A_431 : memref<1x64x128xf32, #tpu.memory_space<vmem>> -> memref<64x128xf32, #tpu.memory_space<vmem>>
        %dma_wait3A_433 = arith.constant 0 : i32
        %dma_wait3A_434 = tpu.memref_slice %arg5[%multiple_of3A_427, %dma_wait3A_433] : memref<204800x128xf32, #tpu.memory_space<hbm>> -> memref<64x128xf32, #tpu.memory_space<hbm>>
        %dma_wait3A_435 = arith.constant 0 : i32
        %dma_wait3A_436 = tpu.memref_slice %arg5[%multiple_of3A_427, %dma_wait3A_435] : memref<204800x128xf32, #tpu.memory_space<hbm>> -> memref<64x128xf32, #tpu.memory_space<hbm>>
        %dma_wait3A_437 = arith.constant 0 : i32
        %dma_wait3A_438 = arith.constant 0 : i32
        %dma_wait3A_439 = tpu.memref_slice %arg8[%dma_wait3A_428, %dma_wait3A_437, %dma_wait3A_438] : memref<4x64x128xf32, #tpu.memory_space<vmem>> -> memref<1x64x128xf32, #tpu.memory_space<vmem>>
        %dma_wait3A_440 = tpu.memref_squeeze %dma_wait3A_439 : memref<1x64x128xf32, #tpu.memory_space<vmem>> -> memref<64x128xf32, #tpu.memory_space<vmem>>
        tpu.wait_dma2 semaphore(%arg14 : memref<!tpu.dma_semaphore, #tpu.memory_space<semaphore_mem>>) src(%dma_wait3A_440 : memref<64x128xf32, #tpu.memory_space<vmem>>) dst(%dma_wait3A_436 : memref<64x128xf32, #tpu.memory_space<hbm>>)
        %dma_start3A_441 = arith.constant 0 : i32
        %dma_start3A_442 = arith.constant 0 : i32
        %dma_start3A_443 = arith.constant 0 : i32
        %dma_start3A_444 = arith.constant 0 : i32
        %dma_start3A_445 = tpu.memref_slice %arg8[%dma_start3A_442, %dma_start3A_443, %dma_start3A_444] : memref<4x64x128xf32, #tpu.memory_space<vmem>> -> memref<1x64x128xf32, #tpu.memory_space<vmem>>
        %dma_start3A_446 = tpu.memref_squeeze %dma_start3A_445 : memref<1x64x128xf32, #tpu.memory_space<vmem>> -> memref<64x128xf32, #tpu.memory_space<vmem>>
        %dma_start3A_447 = arith.constant 0 : i32
        %dma_start3A_448 = tpu.memref_slice %arg6[%dma_start3A_441, %add3A_384, %dma_start3A_447] : memref<1x100x64xi32, #tpu.memory_space<vmem>> -> memref<1x1x64xi32, #tpu.memory_space<vmem>>
        %dma_start3A_449 = tpu.memref_squeeze %dma_start3A_448 : memref<1x1x64xi32, #tpu.memory_space<vmem>> -> memref<64xi32, #tpu.memory_space<vmem>>
        %dma_start3A_450 = arith.constant 0 : i32
        %dma_start3A_451 = arith.constant 0 : i32
        %dma_start3A_452 = tpu.memref_slice %arg2[%dma_start3A_450, %dma_start3A_451] : memref<100000x128xf32, #tpu.memory_space<hbm>> -> memref<100000x128xf32, #tpu.memory_space<hbm>>
        tpu.enqueue_indirect_dma source(%dma_start3A_452 : memref<100000x128xf32, #tpu.memory_space<hbm>>) target(%dma_start3A_446 : memref<64x128xf32, #tpu.memory_space<vmem>>) offsets(%dma_start3A_449 : memref<64xi32, #tpu.memory_space<vmem>>) semaphore(%arg10 : memref<!tpu.dma_semaphore, #tpu.memory_space<semaphore_mem>>)
        %dma_start3A_453 = arith.constant 0 : i32
        %dma_start3A_454 = arith.constant 0 : i32
        %dma_start3A_455 = arith.constant 0 : i32
        %dma_start3A_456 = arith.constant 0 : i32
        %dma_start3A_457 = tpu.memref_slice %arg9[%dma_start3A_454, %dma_start3A_455, %dma_start3A_456] : memref<4x64x128xf32, #tpu.memory_space<vmem>> -> memref<1x64x128xf32, #tpu.memory_space<vmem>>
        %dma_start3A_458 = tpu.memref_squeeze %dma_start3A_457 : memref<1x64x128xf32, #tpu.memory_space<vmem>> -> memref<64x128xf32, #tpu.memory_space<vmem>>
        %dma_start3A_459 = arith.constant 0 : i32
        %dma_start3A_460 = tpu.memref_slice %arg7[%dma_start3A_453, %add3A_384, %dma_start3A_459] : memref<1x100x64xi32, #tpu.memory_space<vmem>> -> memref<1x1x64xi32, #tpu.memory_space<vmem>>
        %dma_start3A_461 = tpu.memref_squeeze %dma_start3A_460 : memref<1x1x64xi32, #tpu.memory_space<vmem>> -> memref<64xi32, #tpu.memory_space<vmem>>
        %dma_start3A_462 = arith.constant 0 : i32
        %dma_start3A_463 = arith.constant 0 : i32
        %dma_start3A_464 = tpu.memref_slice %arg2[%dma_start3A_462, %dma_start3A_463] : memref<100000x128xf32, #tpu.memory_space<hbm>> -> memref<100000x128xf32, #tpu.memory_space<hbm>>
        tpu.enqueue_indirect_dma source(%dma_start3A_464 : memref<100000x128xf32, #tpu.memory_space<hbm>>) target(%dma_start3A_458 : memref<64x128xf32, #tpu.memory_space<vmem>>) offsets(%dma_start3A_461 : memref<64xi32, #tpu.memory_space<vmem>>) semaphore(%arg10 : memref<!tpu.dma_semaphore, #tpu.memory_space<semaphore_mem>>)
      } else {
      }
      %add3A_387 = arith.constant 1 : i32
      %add3A_388 = arith.addi %scan3A_174, %add3A_387 : i32
      %mul3A_389 = arith.constant 4 : i32
      %mul3A_390 = arith.muli %add3A_388, %mul3A_389 : i32
      %add3A_391 = arith.constant 1 : i32
      %add3A_392 = arith.addi %mul3A_390, %add3A_391 : i32
      %lt3A_393 = arith.constant 100 : i32
      %lt3A_394 = arith.cmpi slt, %add3A_392, %lt3A_393 : i32
      %convert_element_type3A_395 = arith.extui %lt3A_394 : i1 to i32
      %cond3A_396 = arith.constant 0 : i32
      %cond3A_397 = arith.cmpi ne, %convert_element_type3A_395, %cond3A_396 : i32
      scf.if %cond3A_397 {
        %mul3A_420 = arith.constant 4 : i32
        %mul3A_421 = arith.muli %scan3A_174, %mul3A_420 : i32
        %add3A_422 = arith.constant 1 : i32
        %add3A_423 = arith.addi %mul3A_421, %add3A_422 : i32
        %mul3A_424 = arith.constant 64 : i32
        %mul3A_425 = arith.muli %add3A_423, %mul3A_424 : i32
        %add3A_426 = arith.addi %multiple_of3A, %mul3A_425 : i32
        %multiple_of3A_427 = tpu.assume_multiple %add3A_426, 64 : i32
        %dma_wait3A_428 = arith.constant 1 : i32
        %dma_wait3A_429 = arith.constant 0 : i32
        %dma_wait3A_430 = arith.constant 0 : i32
        %dma_wait3A_431 = tpu.memref_slice %arg8[%dma_wait3A_428, %dma_wait3A_429, %dma_wait3A_430] : memref<4x64x128xf32, #tpu.memory_space<vmem>> -> memref<1x64x128xf32, #tpu.memory_space<vmem>>
        %dma_wait3A_432 = tpu.memref_squeeze %dma_wait3A_431 : memref<1x64x128xf32, #tpu.memory_space<vmem>> -> memref<64x128xf32, #tpu.memory_space<vmem>>
        %dma_wait3A_433 = arith.constant 0 : i32
        %dma_wait3A_434 = tpu.memref_slice %arg5[%multiple_of3A_427, %dma_wait3A_433] : memref<204800x128xf32, #tpu.memory_space<hbm>> -> memref<64x128xf32, #tpu.memory_space<hbm>>
        %dma_wait3A_435 = arith.constant 0 : i32
        %dma_wait3A_436 = tpu.memref_slice %arg5[%multiple_of3A_427, %dma_wait3A_435] : memref<204800x128xf32, #tpu.memory_space<hbm>> -> memref<64x128xf32, #tpu.memory_space<hbm>>
        %dma_wait3A_437 = arith.constant 0 : i32
        %dma_wait3A_438 = arith.constant 0 : i32
        %dma_wait3A_439 = tpu.memref_slice %arg8[%dma_wait3A_428, %dma_wait3A_437, %dma_wait3A_438] : memref<4x64x128xf32, #tpu.memory_space<vmem>> -> memref<1x64x128xf32, #tpu.memory_space<vmem>>
        %dma_wait3A_440 = tpu.memref_squeeze %dma_wait3A_439 : memref<1x64x128xf32, #tpu.memory_space<vmem>> -> memref<64x128xf32, #tpu.memory_space<vmem>>
        tpu.wait_dma2 semaphore(%arg15 : memref<!tpu.dma_semaphore, #tpu.memory_space<semaphore_mem>>) src(%dma_wait3A_440 : memref<64x128xf32, #tpu.memory_space<vmem>>) dst(%dma_wait3A_436 : memref<64x128xf32, #tpu.memory_space<hbm>>)
        %dma_start3A_441 = arith.constant 0 : i32
        %dma_start3A_442 = arith.constant 1 : i32
        %dma_start3A_443 = arith.constant 0 : i32
        %dma_start3A_444 = arith.constant 0 : i32
        %dma_start3A_445 = tpu.memref_slice %arg8[%dma_start3A_442, %dma_start3A_443, %dma_start3A_444] : memref<4x64x128xf32, #tpu.memory_space<vmem>> -> memref<1x64x128xf32, #tpu.memory_space<vmem>>
        %dma_start3A_446 = tpu.memref_squeeze %dma_start3A_445 : memref<1x64x128xf32, #tpu.memory_space<vmem>> -> memref<64x128xf32, #tpu.memory_space<vmem>>
        %dma_start3A_447 = arith.constant 0 : i32
        %dma_start3A_448 = tpu.memref_slice %arg6[%dma_start3A_441, %add3A_392, %dma_start3A_447] : memref<1x100x64xi32, #tpu.memory_space<vmem>> -> memref<1x1x64xi32, #tpu.memory_space<vmem>>
        %dma_start3A_449 = tpu.memref_squeeze %dma_start3A_448 : memref<1x1x64xi32, #tpu.memory_space<vmem>> -> memref<64xi32, #tpu.memory_space<vmem>>
        %dma_start3A_450 = arith.constant 0 : i32
        %dma_start3A_451 = arith.constant 0 : i32
        %dma_start3A_452 = tpu.memref_slice %arg2[%dma_start3A_450, %dma_start3A_451] : memref<100000x128xf32, #tpu.memory_space<hbm>> -> memref<100000x128xf32, #tpu.memory_space<hbm>>
        tpu.enqueue_indirect_dma source(%dma_start3A_452 : memref<100000x128xf32, #tpu.memory_space<hbm>>) target(%dma_start3A_446 : memref<64x128xf32, #tpu.memory_space<vmem>>) offsets(%dma_start3A_449 : memref<64xi32, #tpu.memory_space<vmem>>) semaphore(%arg11 : memref<!tpu.dma_semaphore, #tpu.memory_space<semaphore_mem>>)
        %dma_start3A_453 = arith.constant 0 : i32
        %dma_start3A_454 = arith.constant 1 : i32
        %dma_start3A_455 = arith.constant 0 : i32
        %dma_start3A_456 = arith.constant 0 : i32
        %dma_start3A_457 = tpu.memref_slice %arg9[%dma_start3A_454, %dma_start3A_455, %dma_start3A_456] : memref<4x64x128xf32, #tpu.memory_space<vmem>> -> memref<1x64x128xf32, #tpu.memory_space<vmem>>
        %dma_start3A_458 = tpu.memref_squeeze %dma_start3A_457 : memref<1x64x128xf32, #tpu.memory_space<vmem>> -> memref<64x128xf32, #tpu.memory_space<vmem>>
        %dma_start3A_459 = arith.constant 0 : i32
        %dma_start3A_460 = tpu.memref_slice %arg7[%dma_start3A_453, %add3A_392, %dma_start3A_459] : memref<1x100x64xi32, #tpu.memory_space<vmem>> -> memref<1x1x64xi32, #tpu.memory_space<vmem>>
        %dma_start3A_461 = tpu.memref_squeeze %dma_start3A_460 : memref<1x1x64xi32, #tpu.memory_space<vmem>> -> memref<64xi32, #tpu.memory_space<vmem>>
        %dma_start3A_462 = arith.constant 0 : i32
        %dma_start3A_463 = arith.constant 0 : i32
        %dma_start3A_464 = tpu.memref_slice %arg2[%dma_start3A_462, %dma_start3A_463] : memref<100000x128xf32, #tpu.memory_space<hbm>> -> memref<100000x128xf32, #tpu.memory_space<hbm>>
        tpu.enqueue_indirect_dma source(%dma_start3A_464 : memref<100000x128xf32, #tpu.memory_space<hbm>>) target(%dma_start3A_458 : memref<64x128xf32, #tpu.memory_space<vmem>>) offsets(%dma_start3A_461 : memref<64xi32, #tpu.memory_space<vmem>>) semaphore(%arg11 : memref<!tpu.dma_semaphore, #tpu.memory_space<semaphore_mem>>)
      } else {
      }
      %add3A_398 = arith.constant 1 : i32
      %add3A_399 = arith.addi %scan3A_174, %add3A_398 : i32
      %mul3A_400 = arith.constant 4 : i32
      %mul3A_401 = arith.muli %add3A_399, %mul3A_400 : i32
      %add3A_402 = arith.constant 2 : i32
      %add3A_403 = arith.addi %mul3A_401, %add3A_402 : i32
      %lt3A_404 = arith.constant 100 : i32
      %lt3A_405 = arith.cmpi slt, %add3A_403, %lt3A_404 : i32
      %convert_element_type3A_406 = arith.extui %lt3A_405 : i1 to i32
      %cond3A_407 = arith.constant 0 : i32
      %cond3A_408 = arith.cmpi ne, %convert_element_type3A_406, %cond3A_407 : i32
      scf.if %cond3A_408 {
        %mul3A_420 = arith.constant 4 : i32
        %mul3A_421 = arith.muli %scan3A_174, %mul3A_420 : i32
        %add3A_422 = arith.constant 2 : i32
        %add3A_423 = arith.addi %mul3A_421, %add3A_422 : i32
        %mul3A_424 = arith.constant 64 : i32
        %mul3A_425 = arith.muli %add3A_423, %mul3A_424 : i32
        %add3A_426 = arith.addi %multiple_of3A, %mul3A_425 : i32
        %multiple_of3A_427 = tpu.assume_multiple %add3A_426, 64 : i32
        %dma_wait3A_428 = arith.constant 2 : i32
        %dma_wait3A_429 = arith.constant 0 : i32
        %dma_wait3A_430 = arith.constant 0 : i32
        %dma_wait3A_431 = tpu.memref_slice %arg8[%dma_wait3A_428, %dma_wait3A_429, %dma_wait3A_430] : memref<4x64x128xf32, #tpu.memory_space<vmem>> -> memref<1x64x128xf32, #tpu.memory_space<vmem>>
        %dma_wait3A_432 = tpu.memref_squeeze %dma_wait3A_431 : memref<1x64x128xf32, #tpu.memory_space<vmem>> -> memref<64x128xf32, #tpu.memory_space<vmem>>
        %dma_wait3A_433 = arith.constant 0 : i32
        %dma_wait3A_434 = tpu.memref_slice %arg5[%multiple_of3A_427, %dma_wait3A_433] : memref<204800x128xf32, #tpu.memory_space<hbm>> -> memref<64x128xf32, #tpu.memory_space<hbm>>
        %dma_wait3A_435 = arith.constant 0 : i32
        %dma_wait3A_436 = tpu.memref_slice %arg5[%multiple_of3A_427, %dma_wait3A_435] : memref<204800x128xf32, #tpu.memory_space<hbm>> -> memref<64x128xf32, #tpu.memory_space<hbm>>
        %dma_wait3A_437 = arith.constant 0 : i32
        %dma_wait3A_438 = arith.constant 0 : i32
        %dma_wait3A_439 = tpu.memref_slice %arg8[%dma_wait3A_428, %dma_wait3A_437, %dma_wait3A_438] : memref<4x64x128xf32, #tpu.memory_space<vmem>> -> memref<1x64x128xf32, #tpu.memory_space<vmem>>
        %dma_wait3A_440 = tpu.memref_squeeze %dma_wait3A_439 : memref<1x64x128xf32, #tpu.memory_space<vmem>> -> memref<64x128xf32, #tpu.memory_space<vmem>>
        tpu.wait_dma2 semaphore(%arg16 : memref<!tpu.dma_semaphore, #tpu.memory_space<semaphore_mem>>) src(%dma_wait3A_440 : memref<64x128xf32, #tpu.memory_space<vmem>>) dst(%dma_wait3A_436 : memref<64x128xf32, #tpu.memory_space<hbm>>)
        %dma_start3A_441 = arith.constant 0 : i32
        %dma_start3A_442 = arith.constant 2 : i32
        %dma_start3A_443 = arith.constant 0 : i32
        %dma_start3A_444 = arith.constant 0 : i32
        %dma_start3A_445 = tpu.memref_slice %arg8[%dma_start3A_442, %dma_start3A_443, %dma_start3A_444] : memref<4x64x128xf32, #tpu.memory_space<vmem>> -> memref<1x64x128xf32, #tpu.memory_space<vmem>>
        %dma_start3A_446 = tpu.memref_squeeze %dma_start3A_445 : memref<1x64x128xf32, #tpu.memory_space<vmem>> -> memref<64x128xf32, #tpu.memory_space<vmem>>
        %dma_start3A_447 = arith.constant 0 : i32
        %dma_start3A_448 = tpu.memref_slice %arg6[%dma_start3A_441, %add3A_403, %dma_start3A_447] : memref<1x100x64xi32, #tpu.memory_space<vmem>> -> memref<1x1x64xi32, #tpu.memory_space<vmem>>
        %dma_start3A_449 = tpu.memref_squeeze %dma_start3A_448 : memref<1x1x64xi32, #tpu.memory_space<vmem>> -> memref<64xi32, #tpu.memory_space<vmem>>
        %dma_start3A_450 = arith.constant 0 : i32
        %dma_start3A_451 = arith.constant 0 : i32
        %dma_start3A_452 = tpu.memref_slice %arg2[%dma_start3A_450, %dma_start3A_451] : memref<100000x128xf32, #tpu.memory_space<hbm>> -> memref<100000x128xf32, #tpu.memory_space<hbm>>
        tpu.enqueue_indirect_dma source(%dma_start3A_452 : memref<100000x128xf32, #tpu.memory_space<hbm>>) target(%dma_start3A_446 : memref<64x128xf32, #tpu.memory_space<vmem>>) offsets(%dma_start3A_449 : memref<64xi32, #tpu.memory_space<vmem>>) semaphore(%arg12 : memref<!tpu.dma_semaphore, #tpu.memory_space<semaphore_mem>>)
        %dma_start3A_453 = arith.constant 0 : i32
        %dma_start3A_454 = arith.constant 2 : i32
        %dma_start3A_455 = arith.constant 0 : i32
        %dma_start3A_456 = arith.constant 0 : i32
        %dma_start3A_457 = tpu.memref_slice %arg9[%dma_start3A_454, %dma_start3A_455, %dma_start3A_456] : memref<4x64x128xf32, #tpu.memory_space<vmem>> -> memref<1x64x128xf32, #tpu.memory_space<vmem>>
        %dma_start3A_458 = tpu.memref_squeeze %dma_start3A_457 : memref<1x64x128xf32, #tpu.memory_space<vmem>> -> memref<64x128xf32, #tpu.memory_space<vmem>>
        %dma_start3A_459 = arith.constant 0 : i32
        %dma_start3A_460 = tpu.memref_slice %arg7[%dma_start3A_453, %add3A_403, %dma_start3A_459] : memref<1x100x64xi32, #tpu.memory_space<vmem>> -> memref<1x1x64xi32, #tpu.memory_space<vmem>>
        %dma_start3A_461 = tpu.memref_squeeze %dma_start3A_460 : memref<1x1x64xi32, #tpu.memory_space<vmem>> -> memref<64xi32, #tpu.memory_space<vmem>>
        %dma_start3A_462 = arith.constant 0 : i32
        %dma_start3A_463 = arith.constant 0 : i32
        %dma_start3A_464 = tpu.memref_slice %arg2[%dma_start3A_462, %dma_start3A_463] : memref<100000x128xf32, #tpu.memory_space<hbm>> -> memref<100000x128xf32, #tpu.memory_space<hbm>>
        tpu.enqueue_indirect_dma source(%dma_start3A_464 : memref<100000x128xf32, #tpu.memory_space<hbm>>) target(%dma_start3A_458 : memref<64x128xf32, #tpu.memory_space<vmem>>) offsets(%dma_start3A_461 : memref<64xi32, #tpu.memory_space<vmem>>) semaphore(%arg12 : memref<!tpu.dma_semaphore, #tpu.memory_space<semaphore_mem>>)
      } else {
      }
      %add3A_409 = arith.constant 1 : i32
      %add3A_410 = arith.addi %scan3A_174, %add3A_409 : i32
      %mul3A_411 = arith.constant 4 : i32
      %mul3A_412 = arith.muli %add3A_410, %mul3A_411 : i32
      %add3A_413 = arith.constant 3 : i32
      %add3A_414 = arith.addi %mul3A_412, %add3A_413 : i32
      %lt3A_415 = arith.constant 100 : i32
      %lt3A_416 = arith.cmpi slt, %add3A_414, %lt3A_415 : i32
      %convert_element_type3A_417 = arith.extui %lt3A_416 : i1 to i32
      %cond3A_418 = arith.constant 0 : i32
      %cond3A_419 = arith.cmpi ne, %convert_element_type3A_417, %cond3A_418 : i32
      scf.if %cond3A_419 {
        %mul3A_420 = arith.constant 4 : i32
        %mul3A_421 = arith.muli %scan3A_174, %mul3A_420 : i32
        %add3A_422 = arith.constant 3 : i32
        %add3A_423 = arith.addi %mul3A_421, %add3A_422 : i32
        %mul3A_424 = arith.constant 64 : i32
        %mul3A_425 = arith.muli %add3A_423, %mul3A_424 : i32
        %add3A_426 = arith.addi %multiple_of3A, %mul3A_425 : i32
        %multiple_of3A_427 = tpu.assume_multiple %add3A_426, 64 : i32
        %dma_wait3A_428 = arith.constant 3 : i32
        %dma_wait3A_429 = arith.constant 0 : i32
        %dma_wait3A_430 = arith.constant 0 : i32
        %dma_wait3A_431 = tpu.memref_slice %arg8[%dma_wait3A_428, %dma_wait3A_429, %dma_wait3A_430] : memref<4x64x128xf32, #tpu.memory_space<vmem>> -> memref<1x64x128xf32, #tpu.memory_space<vmem>>
        %dma_wait3A_432 = tpu.memref_squeeze %dma_wait3A_431 : memref<1x64x128xf32, #tpu.memory_space<vmem>> -> memref<64x128xf32, #tpu.memory_space<vmem>>
        %dma_wait3A_433 = arith.constant 0 : i32
        %dma_wait3A_434 = tpu.memref_slice %arg5[%multiple_of3A_427, %dma_wait3A_433] : memref<204800x128xf32, #tpu.memory_space<hbm>> -> memref<64x128xf32, #tpu.memory_space<hbm>>
        %dma_wait3A_435 = arith.constant 0 : i32
        %dma_wait3A_436 = tpu.memref_slice %arg5[%multiple_of3A_427, %dma_wait3A_435] : memref<204800x128xf32, #tpu.memory_space<hbm>> -> memref<64x128xf32, #tpu.memory_space<hbm>>
        %dma_wait3A_437 = arith.constant 0 : i32
        %dma_wait3A_438 = arith.constant 0 : i32
        %dma_wait3A_439 = tpu.memref_slice %arg8[%dma_wait3A_428, %dma_wait3A_437, %dma_wait3A_438] : memref<4x64x128xf32, #tpu.memory_space<vmem>> -> memref<1x64x128xf32, #tpu.memory_space<vmem>>
        %dma_wait3A_440 = tpu.memref_squeeze %dma_wait3A_439 : memref<1x64x128xf32, #tpu.memory_space<vmem>> -> memref<64x128xf32, #tpu.memory_space<vmem>>
        tpu.wait_dma2 semaphore(%arg17 : memref<!tpu.dma_semaphore, #tpu.memory_space<semaphore_mem>>) src(%dma_wait3A_440 : memref<64x128xf32, #tpu.memory_space<vmem>>) dst(%dma_wait3A_436 : memref<64x128xf32, #tpu.memory_space<hbm>>)
        %dma_start3A_441 = arith.constant 0 : i32
        %dma_start3A_442 = arith.constant 3 : i32
        %dma_start3A_443 = arith.constant 0 : i32
        %dma_start3A_444 = arith.constant 0 : i32
        %dma_start3A_445 = tpu.memref_slice %arg8[%dma_start3A_442, %dma_start3A_443, %dma_start3A_444] : memref<4x64x128xf32, #tpu.memory_space<vmem>> -> memref<1x64x128xf32, #tpu.memory_space<vmem>>
        %dma_start3A_446 = tpu.memref_squeeze %dma_start3A_445 : memref<1x64x128xf32, #tpu.memory_space<vmem>> -> memref<64x128xf32, #tpu.memory_space<vmem>>
        %dma_start3A_447 = arith.constant 0 : i32
        %dma_start3A_448 = tpu.memref_slice %arg6[%dma_start3A_441, %add3A_414, %dma_start3A_447] : memref<1x100x64xi32, #tpu.memory_space<vmem>> -> memref<1x1x64xi32, #tpu.memory_space<vmem>>
        %dma_start3A_449 = tpu.memref_squeeze %dma_start3A_448 : memref<1x1x64xi32, #tpu.memory_space<vmem>> -> memref<64xi32, #tpu.memory_space<vmem>>
        %dma_start3A_450 = arith.constant 0 : i32
        %dma_start3A_451 = arith.constant 0 : i32
        %dma_start3A_452 = tpu.memref_slice %arg2[%dma_start3A_450, %dma_start3A_451] : memref<100000x128xf32, #tpu.memory_space<hbm>> -> memref<100000x128xf32, #tpu.memory_space<hbm>>
        tpu.enqueue_indirect_dma source(%dma_start3A_452 : memref<100000x128xf32, #tpu.memory_space<hbm>>) target(%dma_start3A_446 : memref<64x128xf32, #tpu.memory_space<vmem>>) offsets(%dma_start3A_449 : memref<64xi32, #tpu.memory_space<vmem>>) semaphore(%arg13 : memref<!tpu.dma_semaphore, #tpu.memory_space<semaphore_mem>>)
        %dma_start3A_453 = arith.constant 0 : i32
        %dma_start3A_454 = arith.constant 3 : i32
        %dma_start3A_455 = arith.constant 0 : i32
        %dma_start3A_456 = arith.constant 0 : i32
        %dma_start3A_457 = tpu.memref_slice %arg9[%dma_start3A_454, %dma_start3A_455, %dma_start3A_456] : memref<4x64x128xf32, #tpu.memory_space<vmem>> -> memref<1x64x128xf32, #tpu.memory_space<vmem>>
        %dma_start3A_458 = tpu.memref_squeeze %dma_start3A_457 : memref<1x64x128xf32, #tpu.memory_space<vmem>> -> memref<64x128xf32, #tpu.memory_space<vmem>>
        %dma_start3A_459 = arith.constant 0 : i32
        %dma_start3A_460 = tpu.memref_slice %arg7[%dma_start3A_453, %add3A_414, %dma_start3A_459] : memref<1x100x64xi32, #tpu.memory_space<vmem>> -> memref<1x1x64xi32, #tpu.memory_space<vmem>>
        %dma_start3A_461 = tpu.memref_squeeze %dma_start3A_460 : memref<1x1x64xi32, #tpu.memory_space<vmem>> -> memref<64xi32, #tpu.memory_space<vmem>>
        %dma_start3A_462 = arith.constant 0 : i32
        %dma_start3A_463 = arith.constant 0 : i32
        %dma_start3A_464 = tpu.memref_slice %arg2[%dma_start3A_462, %dma_start3A_463] : memref<100000x128xf32, #tpu.memory_space<hbm>> -> memref<100000x128xf32, #tpu.memory_space<hbm>>
        tpu.enqueue_indirect_dma source(%dma_start3A_464 : memref<100000x128xf32, #tpu.memory_space<hbm>>) target(%dma_start3A_458 : memref<64x128xf32, #tpu.memory_space<vmem>>) offsets(%dma_start3A_461 : memref<64xi32, #tpu.memory_space<vmem>>) semaphore(%arg13 : memref<!tpu.dma_semaphore, #tpu.memory_space<semaphore_mem>>)
      } else {
      }
    }
    %scan3A_110 = arith.constant 25 : i32
    %add3A_111 = arith.constant 6144 : i32
    %add3A_112 = arith.addi %multiple_of3A, %add3A_111 : i32
    %multiple_of3A_113 = tpu.assume_multiple %add3A_112, 64 : i32
    %dma_wait3A = arith.constant 0 : i32
    %dma_wait3A_114 = arith.constant 0 : i32
    %dma_wait3A_115 = arith.constant 0 : i32
    %dma_wait3A_116 = tpu.memref_slice %arg8[%dma_wait3A, %dma_wait3A_114, %dma_wait3A_115] : memref<4x64x128xf32, #tpu.memory_space<vmem>> -> memref<1x64x128xf32, #tpu.memory_space<vmem>>
    %dma_wait3A_117 = tpu.memref_squeeze %dma_wait3A_116 : memref<1x64x128xf32, #tpu.memory_space<vmem>> -> memref<64x128xf32, #tpu.memory_space<vmem>>
    %dma_wait3A_118 = arith.constant 0 : i32
    %dma_wait3A_119 = tpu.memref_slice %arg5[%multiple_of3A_113, %dma_wait3A_118] : memref<204800x128xf32, #tpu.memory_space<hbm>> -> memref<64x128xf32, #tpu.memory_space<hbm>>
    %dma_wait3A_120 = arith.constant 0 : i32
    %dma_wait3A_121 = tpu.memref_slice %arg5[%multiple_of3A_113, %dma_wait3A_120] : memref<204800x128xf32, #tpu.memory_space<hbm>> -> memref<64x128xf32, #tpu.memory_space<hbm>>
    %dma_wait3A_122 = arith.constant 0 : i32
    %dma_wait3A_123 = arith.constant 0 : i32
    %dma_wait3A_124 = tpu.memref_slice %arg8[%dma_wait3A, %dma_wait3A_122, %dma_wait3A_123] : memref<4x64x128xf32, #tpu.memory_space<vmem>> -> memref<1x64x128xf32, #tpu.memory_space<vmem>>
    %dma_wait3A_125 = tpu.memref_squeeze %dma_wait3A_124 : memref<1x64x128xf32, #tpu.memory_space<vmem>> -> memref<64x128xf32, #tpu.memory_space<vmem>>
    tpu.wait_dma2 semaphore(%arg14 : memref<!tpu.dma_semaphore, #tpu.memory_space<semaphore_mem>>) src(%dma_wait3A_125 : memref<64x128xf32, #tpu.memory_space<vmem>>) dst(%dma_wait3A_121 : memref<64x128xf32, #tpu.memory_space<hbm>>)
    %add3A_126 = arith.constant 6208 : i32
    %add3A_127 = arith.addi %multiple_of3A, %add3A_126 : i32
    %multiple_of3A_128 = tpu.assume_multiple %add3A_127, 64 : i32
    %dma_wait3A_129 = arith.constant 1 : i32
    %dma_wait3A_130 = arith.constant 0 : i32
    %dma_wait3A_131 = arith.constant 0 : i32
    %dma_wait3A_132 = tpu.memref_slice %arg8[%dma_wait3A_129, %dma_wait3A_130, %dma_wait3A_131] : memref<4x64x128xf32, #tpu.memory_space<vmem>> -> memref<1x64x128xf32, #tpu.memory_space<vmem>>
    %dma_wait3A_133 = tpu.memref_squeeze %dma_wait3A_132 : memref<1x64x128xf32, #tpu.memory_space<vmem>> -> memref<64x128xf32, #tpu.memory_space<vmem>>
    %dma_wait3A_134 = arith.constant 0 : i32
    %dma_wait3A_135 = tpu.memref_slice %arg5[%multiple_of3A_128, %dma_wait3A_134] : memref<204800x128xf32, #tpu.memory_space<hbm>> -> memref<64x128xf32, #tpu.memory_space<hbm>>
    %dma_wait3A_136 = arith.constant 0 : i32
    %dma_wait3A_137 = tpu.memref_slice %arg5[%multiple_of3A_128, %dma_wait3A_136] : memref<204800x128xf32, #tpu.memory_space<hbm>> -> memref<64x128xf32, #tpu.memory_space<hbm>>
    %dma_wait3A_138 = arith.constant 0 : i32
    %dma_wait3A_139 = arith.constant 0 : i32
    %dma_wait3A_140 = tpu.memref_slice %arg8[%dma_wait3A_129, %dma_wait3A_138, %dma_wait3A_139] : memref<4x64x128xf32, #tpu.memory_space<vmem>> -> memref<1x64x128xf32, #tpu.memory_space<vmem>>
    %dma_wait3A_141 = tpu.memref_squeeze %dma_wait3A_140 : memref<1x64x128xf32, #tpu.memory_space<vmem>> -> memref<64x128xf32, #tpu.memory_space<vmem>>
    tpu.wait_dma2 semaphore(%arg15 : memref<!tpu.dma_semaphore, #tpu.memory_space<semaphore_mem>>) src(%dma_wait3A_141 : memref<64x128xf32, #tpu.memory_space<vmem>>) dst(%dma_wait3A_137 : memref<64x128xf32, #tpu.memory_space<hbm>>)
    %add3A_142 = arith.constant 6272 : i32
    %add3A_143 = arith.addi %multiple_of3A, %add3A_142 : i32
    %multiple_of3A_144 = tpu.assume_multiple %add3A_143, 64 : i32
    %dma_wait3A_145 = arith.constant 2 : i32
    %dma_wait3A_146 = arith.constant 0 : i32
    %dma_wait3A_147 = arith.constant 0 : i32
    %dma_wait3A_148 = tpu.memref_slice %arg8[%dma_wait3A_145, %dma_wait3A_146, %dma_wait3A_147] : memref<4x64x128xf32, #tpu.memory_space<vmem>> -> memref<1x64x128xf32, #tpu.memory_space<vmem>>
    %dma_wait3A_149 = tpu.memref_squeeze %dma_wait3A_148 : memref<1x64x128xf32, #tpu.memory_space<vmem>> -> memref<64x128xf32, #tpu.memory_space<vmem>>
    %dma_wait3A_150 = arith.constant 0 : i32
    %dma_wait3A_151 = tpu.memref_slice %arg5[%multiple_of3A_144, %dma_wait3A_150] : memref<204800x128xf32, #tpu.memory_space<hbm>> -> memref<64x128xf32, #tpu.memory_space<hbm>>
    %dma_wait3A_152 = arith.constant 0 : i32
    %dma_wait3A_153 = tpu.memref_slice %arg5[%multiple_of3A_144, %dma_wait3A_152] : memref<204800x128xf32, #tpu.memory_space<hbm>> -> memref<64x128xf32, #tpu.memory_space<hbm>>
    %dma_wait3A_154 = arith.constant 0 : i32
    %dma_wait3A_155 = arith.constant 0 : i32
    %dma_wait3A_156 = tpu.memref_slice %arg8[%dma_wait3A_145, %dma_wait3A_154, %dma_wait3A_155] : memref<4x64x128xf32, #tpu.memory_space<vmem>> -> memref<1x64x128xf32, #tpu.memory_space<vmem>>
    %dma_wait3A_157 = tpu.memref_squeeze %dma_wait3A_156 : memref<1x64x128xf32, #tpu.memory_space<vmem>> -> memref<64x128xf32, #tpu.memory_space<vmem>>
    tpu.wait_dma2 semaphore(%arg16 : memref<!tpu.dma_semaphore, #tpu.memory_space<semaphore_mem>>) src(%dma_wait3A_157 : memref<64x128xf32, #tpu.memory_space<vmem>>) dst(%dma_wait3A_153 : memref<64x128xf32, #tpu.memory_space<hbm>>)
    %add3A_158 = arith.constant 6336 : i32
    %add3A_159 = arith.addi %multiple_of3A, %add3A_158 : i32
    %multiple_of3A_160 = tpu.assume_multiple %add3A_159, 64 : i32
    %dma_wait3A_161 = arith.constant 3 : i32
    %dma_wait3A_162 = arith.constant 0 : i32
    %dma_wait3A_163 = arith.constant 0 : i32
    %dma_wait3A_164 = tpu.memref_slice %arg8[%dma_wait3A_161, %dma_wait3A_162, %dma_wait3A_163] : memref<4x64x128xf32, #tpu.memory_space<vmem>> -> memref<1x64x128xf32, #tpu.memory_space<vmem>>
    %dma_wait3A_165 = tpu.memref_squeeze %dma_wait3A_164 : memref<1x64x128xf32, #tpu.memory_space<vmem>> -> memref<64x128xf32, #tpu.memory_space<vmem>>
    %dma_wait3A_166 = arith.constant 0 : i32
    %dma_wait3A_167 = tpu.memref_slice %arg5[%multiple_of3A_160, %dma_wait3A_166] : memref<204800x128xf32, #tpu.memory_space<hbm>> -> memref<64x128xf32, #tpu.memory_space<hbm>>
    %dma_wait3A_168 = arith.constant 0 : i32
    %dma_wait3A_169 = tpu.memref_slice %arg5[%multiple_of3A_160, %dma_wait3A_168] : memref<204800x128xf32, #tpu.memory_space<hbm>> -> memref<64x128xf32, #tpu.memory_space<hbm>>
    %dma_wait3A_170 = arith.constant 0 : i32
    %dma_wait3A_171 = arith.constant 0 : i32
    %dma_wait3A_172 = tpu.memref_slice %arg8[%dma_wait3A_161, %dma_wait3A_170, %dma_wait3A_171] : memref<4x64x128xf32, #tpu.memory_space<vmem>> -> memref<1x64x128xf32, #tpu.memory_space<vmem>>
    %dma_wait3A_173 = tpu.memref_squeeze %dma_wait3A_172 : memref<1x64x128xf32, #tpu.memory_space<vmem>> -> memref<64x128xf32, #tpu.memory_space<vmem>>
    tpu.wait_dma2 semaphore(%arg17 : memref<!tpu.dma_semaphore, #tpu.memory_space<semaphore_mem>>) src(%dma_wait3A_173 : memref<64x128xf32, #tpu.memory_space<vmem>>) dst(%dma_wait3A_169 : memref<64x128xf32, #tpu.memory_space<hbm>>)
    return
  }
}

</mosaic_0001>

<sc_bundles>
// kernel: kernel.3.cloned.1.call-start
scs
__scs_entry_jumppad:
0x0: {  	(pc) =	sbr.rel $0x88, $3  }
0x1: {  	(tag) =	ssettag $0x0;
	lr =	simm.s32 $0x1  }
0x2: {  	[smem:$0x3F9E] =	sst lr;
	_ =	strace $0xD0000000  }
0x3: {  	_ = 	snop  }
0x4: {  	_ = 	snop  }
0x5: {  	_ = 	snop  }
0x6: {  	_ = 	snop  }
0x7: {  	_ = 	snop  }
__scs_overlays_trampoline_lowered:
0x8: {  	[smem:$0x3FAD] =	sst s0  }
0x9: {  	[smem:$0x3FAE] =	sst s1  }
0xa: {  	[smem:$0x3FAF] =	sst s2  }
0xb: {  	[smem:$0x3FB0] =	sst s3  }
0xc: {  	[smem:$0x3FB1] =	sst s4  }
0xd: {  	[smem:$0x3FB2] =	sst s5  }
0xe: {  	[smem:$0x3FB3] =	sst s6  }
0xf: {  	[smem:$0x3FB4] =	sst s7  }
0x10: {  	[smem:$0x3FB5] =	sst s8  }
0x11: {  	[smem:$0x3FB6] =	sst s9;
	s0 =	simm.s32 @!p0 $0x0  }
0x12: {  	s1 =	sld [smem:$0x3F9C];
	s0 =	simm.s32 @p0 $0x1  }
0x13: {  	[smem:$0x3FB7] =	sst s0;
	s0 =	simm.s32 @!p1 $0x0  }
0x14: {  	s2 =	sld [smem:$0x3F9B];
	s0 =	simm.s32 @p1 $0x1  }
0x15: {  	[smem:$0x3FB8] =	sst s0;
	s0 =	simm.s32 @!p2 $0x0  }
0x16: {  	s3 =	sld [smem:$0x3FDB];
	s0 =	simm.s32 @p2 $0x1  }
0x17: {  	s4 =	simm.s32 $0x1BF5;
	[smem:$0x3FBA] =	sst s0  }
0x18: {  	s0 =	sld [smem:$0x3F9D];
	_ =	swait.ge [sflag:s4], $0x0  }
0x19: {  	s7 =	sld [smem:$0x3F9E]  }
0x1a: {  	s8 =	sadd.s32 $0xFFFFE003, lr  }
0x1b: {  	s9 =	sadd.s32 $0xFFFFFEF7, lr;
	s5 =	simm.s32 $0xFFFFFFFF;
	p2 =	slt.u32 s8, $0xFFFFF086  }
0x1c: {  	p1 =	slt.u32 s9, $0xF7A;
	s5 =	simm.s32 @!p2 $0x0  }
0x1d: {  	s5 =	simm.s32 @p1 $0x1;
	p0 =	seq.s32 s7, s2  }
0x1e: {  	s7 =	smul.u32 @!p0 $0xF7A, s2;
	p2 =	seq.s32 @!p0 s5, $0x0  }
0x1f: {  	s9 =	smul.u32 $0xF7A, s1;
	s8 =	simm.s32 @!p0 $0x1BF5;
	p2 =	por !p2, p0  }
0x20: {  	[sflag:s8] =	ssyncset.s32 @!p0 $0xFFFFF086;
	s6 =	sadd.s32 @!p0 s3, s7;
	s7 =	simm.s32 @!p0 $0x108  }
0x21: {  	s3 =	sadd.s32 s3, s9;
	s6 =	sadd.s32 @!p0 $0x88, s6;
	s7 =	simm.s32 @p2 $0x1082  }
0x22: {  	[simem:s7], [sflag:s8] =	dma.local @!p0 [hbm:s6], $0xF7A  }
0x23: {  	s9 =	sor.u32 $0xD0000000, s2;
	s6 =	simm.s32 $0x108;
	_ =	swait.ge @!p0 [sflag:s8], $0x0  }
0x24: {  	s3 =	sadd.s32 $0x88, s3;
	s6 =	simm.s32 @!p1 $0x1082;
	[sflag:s4] =	ssyncset.s32 $0xFFFFF086  }
0x25: {  	[simem:s6], [sflag:s4] =	dma.local [hbm:s3], $0xF7A  }
0x26: {  	[smem:$0x3F9E] =	sst s1;
	(tag) =	ssettag s2;
	_ =	strace s9  }
0x27: {  	s1 =	sld [smem:$0x3FAE]  }
0x28: {  	s2 =	sld [smem:$0x3FAF]  }
0x29: {  	s4 =	sld [smem:$0x3FB1]  }
0x2a: {  	p0 =	seq.s32 s5, $0x0;
	s5 =	sld [smem:$0x3FB2]  }
0x2b: {  	s6 =	sld [smem:$0x3FB3]  }
0x2c: {  	s7 =	sld [smem:$0x3FB4]  }
0x2d: {  	s3 =	simm.s32 $0x108;
	s8 =	sld [smem:$0x3FB5]  }
0x2e: {  	s3 =	simm.s32 @!p0 $0x1082;
	s9 =	sld [smem:$0x3FB6]  }
0x2f: {  	lr =	sadd.s32 s0, s3;
	s0 =	sld [smem:$0x3FAD]  }
0x30: {  	s3 =	sld [smem:$0x3FB0]  }
0x31: {  	[smem:$0x3FB9] =	sst s10  }
0x32: {  	s10 =	sld [smem:$0x3FB7];
	_ =	sdelay $0x3  }
0x33: {  	p0 =	seq.s32 s10, $0x1;
	s10 =	sld [smem:$0x3FB9];
	_ =	sdelay $0x3  }
0x34: {  	[smem:$0x3FB9] =	sst s10  }
0x35: {  	s10 =	sld [smem:$0x3FB8];
	_ =	sdelay $0x3  }
0x36: {  	p1 =	seq.s32 s10, $0x1;
	s10 =	sld [smem:$0x3FB9];
	_ =	sdelay $0x3  }
0x37: {  	[smem:$0x3FB9] =	sst s10  }
0x38: {  	s10 =	sld [smem:$0x3FBA]  }
0x39: {  	_ = 	snop;
	(pc) =	sbr.ind lr, $3  }
0x3a: {  	_ = 	snop  }
0x3b: {  	_ = 	snop  }
0x3c: {  	p2 =	seq.s32 s10, $0x1;
	s10 =	sld [smem:$0x3FB9]  }
0x3d: {  	_ =	shalt  }
0x3e: {  	_ =	shalt  }
0x3f: {  	_ =	shalt  }
0x40: {  	_ =	shalt  }
0x41: {  	_ =	shalt  }
0x42: {  	_ =	shalt  }
0x43: {  	_ =	shalt  }
0x44: {  	_ =	shalt  }
0x45: {  	_ =	shalt  }
0x46: {  	_ =	shalt  }
0x47: {  	_ =	shalt  }
0x48: {  	_ =	shalt  }
0x49: {  	_ =	shalt  }
0x4a: {  	_ =	shalt  }
0x4b: {  	_ =	shalt  }
0x4c: {  	_ =	shalt  }
0x4d: {  	_ =	shalt  }
0x4e: {  	_ =	shalt  }
0x4f: {  	_ =	shalt  }
0x50: {  	_ =	shalt  }
0x51: {  	_ =	shalt  }
0x52: {  	_ =	shalt  }
0x53: {  	_ =	shalt  }
0x54: {  	_ =	shalt  }
0x55: {  	_ =	shalt  }
0x56: {  	_ =	shalt  }
0x57: {  	_ =	shalt  }
0x58: {  	_ =	shalt  }
0x59: {  	_ =	shalt  }
0x5a: {  	_ =	shalt  }
0x5b: {  	_ =	shalt  }
0x5c: {  	_ =	shalt  }
0x5d: {  	_ =	shalt  }
0x5e: {  	_ =	shalt  }
0x5f: {  	_ =	shalt  }
0x60: {  	_ =	shalt  }
0x61: {  	_ =	shalt  }
0x62: {  	_ =	shalt  }
0x63: {  	_ =	shalt  }
0x64: {  	_ =	shalt  }
0x65: {  	_ =	shalt  }
0x66: {  	_ =	shalt  }
0x67: {  	_ =	shalt  }
0x68: {  	_ =	shalt  }
0x69: {  	_ =	shalt  }
0x6a: {  	_ =	shalt  }
0x6b: {  	_ =	shalt  }
0x6c: {  	_ =	shalt  }
0x6d: {  	_ =	shalt  }
0x6e: {  	_ =	shalt  }
0x6f: {  	_ =	shalt  }
0x70: {  	_ =	shalt  }
0x71: {  	_ =	shalt  }
0x72: {  	_ =	shalt  }
0x73: {  	_ =	shalt  }
0x74: {  	_ =	shalt  }
0x75: {  	_ =	shalt  }
0x76: {  	_ =	shalt  }
0x77: {  	_ =	shalt  }
0x78: {  	_ =	shalt  }
0x79: {  	_ =	shalt  }
0x7a: {  	_ =	shalt  }
0x7b: {  	_ =	shalt  }
0x7c: {  	_ =	shalt  }
0x7d: {  	_ =	shalt  }
0x7e: {  	_ =	shalt  }
0x7f: {  	_ =	shalt  }
0x80: {  	_ =	shalt  }
0x81: {  	_ =	shalt  }
0x82: {  	_ =	shalt  }
0x83: {  	_ =	shalt  }
0x84: {  	_ =	shalt  }
0x85: {  	_ =	shalt  }
0x86: {  	_ =	shalt  }
0x87: {  	_ =	shalt  }
.Lfunc_end0:
.L_simem_size_0:
called_computation_lowered:
.L_overlay_start_0:
0x88: {  	s2 =	sld [smem:$0x3FD9]  }
0x89: {  	s3 =	sld [smem:$0x3FFE];
	_ =	sdelay $0x1  }
0x8a: {  	s1 =	srdreg.scid  }
0x8b: {  	s0 =	sand.u32 $0x1, s1  }
0x8c: {  	s17 =	sshll.u32 s0, $0xA;
	s2 =	sadd.s32 s3, s2  }
0x8d: {  	s2 =	sadd.s32 s2, s17  }
0x8e: {  	[smem:$0x3FC5] =	sst s2  }
0x8f: {  	_ = 	snop  }
0x90: {  	s2 =	sld [smem:$0x3FD0];
	(tm) =	ssettm $0x1  }
0x91: {  	s18 =	sld [smem:$0x3FFB];
	_ =	sdelay $0x3  }
0x92: {  	_ =	strace s18  }
0x93: {  	s3 =	sld [smem:$0x3FFC];
	_ =	sdelay $0x3  }
0x94: {  	_ =	strace s3  }
0x95: {  	s3 =	sld [smem:$0x3FFD];
	_ =	sdelay $0x3  }
0x96: {  	_ =	strace s3  }
0x97: {  	_ =	strace $0x8FFFFFFF  }
0x98: {  	s19 =	sld [smem:$0x3FDB];
	_ =	sdelay $0x1  }
0x99: {  	s4 =	simm.s32 $_scs_section_size  }
0x9a: {  	s5 =	simm.s32 $_size__tile_overlayer_lowered;
	s6 =	simm.s32 $_tile_overlayer_lowered  }
0x9b: {  	s22 =	simm.s32 $0x1BFF;
	s21 =	sshll.u32 s6, $0x1;
	s3 =	sadd.s32 s4, s19  }
0x9c: {  	s7 =	simm.s32 $0x0;
	s20 =	sshll.u32 s5, $0x1;
	s5 =	sadd.s32 s21, s3  }
0x9d: {  	[timem:s7], [sflag:s22] =	dma.local [hbm:s5], s20  }
0x9e: {  	_ =	swait.ge [sflag:s22], s20  }
0x9f: {  	s4 =	ssub.s32 $0x0, s20;
	[sflag:s22] =	ssyncset.done $0x0  }
0xa0: {  	[sflag:s22] =	ssyncadd.s32 s4;
	_ =	sdelay $0x1  }
0xa1: {  	s23 =	simm.s32 $0x1B8B  }
0xa2: {  	_ =	swait.ge [sflag:s23], $0x1  }
0xa3: {  	[sflag:s23] =	ssyncset.done $0x0  }
0xa4: {  	s25 =	simm.s32 $0x1B8E;
	s24 =	sld [smem:$0x3FFE];
	[sflag:s23] =	ssyncadd.s32 $0xFFFFFFFF  }
0xa5: {  	s26 =	simm.s32 $execute0_lowered;
	[smem:$0x3FD2] =	sst s25  }
0xa6: {  	s5 =	sshll.u32 s26, $0x1;
	_ =	strace $0x80000046;
	[dreg:$0x1] =	wrdreg $0xFFFFFFFF  }
0xa7: {  	s28 =	simm.s32 $_size_execute0_lowered;
	s3 =	sadd.s32 s3, s5;
	[dreg:$0x0] =	wrdreg $0x0  }
0xa8: {  	s5 =	sshll.u32 s28, $0x1;
	[dreg:$0x2] =	wrdreg s3  }
0xa9: {  	[dreg:$0x3] =	wrdreg s5  }
0xaa: {  	[dreg:$0x4] =	wrdreg $0xC0  }
0xab: {  	_ =	task [dreg:s7], $0x5FFFF  }
0xac: {  	[dreg:$0x1] =	wrdreg $0xFFFFFFFF  }
0xad: {  	[dreg:$0x0] =	wrdreg $0x60  }
0xae: {  	[dreg:$0x2] =	wrdreg s24  }
0xaf: {  	[dreg:$0x3] =	wrdreg s2  }
0xb0: {  	[dreg:$0x4] =	wrdreg $0x9  }
0xb1: {  	_ =	task.clear_ibuf [dreg:s7], $0x5FFFF;
	_ =	strace $0x90000046  }
0xb2: {  	s29 =	simm.s32 $0x9;
	_ =	strace $0x80000048  }
0xb3: {  	_ =	swait.ge [sflag:s29], $0x1  }
0xb4: {  	[sflag:s29] =	ssyncadd.s32 $0xFFFFFFFF  }
0xb5: {  	_ =	strace $0x90000048  }
0xb6: {  	_ =	sfence  }
0xb7: {  	s30 =	sld [smem:$0x0];
	_ =	sdelay $0x2  }
0xb8: {  	s31 =	sshll.u32 s1, $0xD;
	s1 =	sshrl.u32 s1, $0x2  }
0xb9: {  	s3 =	sand.u32 $0x4000, s31;
	s1 =	sadd.s32 s1, s30  }
0xba: {  	s0 =	sor.u32 s3, s0;
	s1 =	sshll.u32 s1, $0x11  }
0xbb: {  	s0 =	sor.u32 s1, s0  }
0xbc: {  	s0 =	sadd.s32 $0x8F2B, s0  }
0xbd: {  	[sflag:s0] =	ssyncadd.remote.s32 $0x1  }
0xbe: {  	_ =	sfence.sel $0xFFFF  }
0xbf: {  	[dreg:$0x0] =	wrdreg $0xFFFFFFFF;
	(pc) =	sbr.abs _section_cstart, $3  }
0xc0: {  	[dreg:$0x1] =	wrdreg $0xFFFFFFFF  }
0xc1: {  	_ =	task.clear_ibuf [dreg:s7], $0x2FFFF;
	_ =	strace $0x9FFFFFFF  }
0xc2: {  	(tm) =	ssettm $0x7FFFFFFF  }
0xc3: {  	_ =	shalt  }
tec
execute0_lowered:
.L_overlay_start_1:
0x0: {  	(tag) =	ssettag $0x1  }
0x1: {  	s0 =	rddreg [dreg:$0x0];
	s1 =	srdreg.scid  }
0x2: {  	s3 =	stileid.u32;
	s2 =	rddreg [dreg:$0x1]  }
0x3: {  	s12 =	simm.s32 $0x9;
	s13 =	simm.s32 $0x3400;
	s14 =	simm.s32 $0x40  }
0x4: {  	s15 =	simm.s32 $0x6800;
	s18 =	simm.s32 $0x8800;
	s22 =	simm.s32 $0xA800  }
0x5: {  	s26 =	simm.s32 $0xC800;
	s30 =	simm.s32 $0x1;
	s31 =	simm.s32 $0x2  }
0x6: {  	s16 =	simm.s32 $0x5;
	s17 =	simm.s32 $0x6;
	s19 =	simm.s32 $0x7  }
0x7: {  	s20 =	simm.s32 $0x8;
	s1 =	sand.u32 $0x1, s1;
	s4 =	sshll.u32 s3, $0x1  }
0x8: {  	s21 =	simm.s32 $0x0;
	s3 =	simm.s32 $0x0;
	s7 =	sor.u32 s1, s4  }
0x9: {  	[smem:$0x7FF] =	sst s3;
	s1 =	ssub.s32 $0x2, s1;
	s5 =	smul.u32 $0x680, s7  }
0xa: {  	s4 =	sadd.s32 $0x1A2C00, s0;
	s6 =	sshrl.u32 s1, $0x1;
	s10 =	smul.u32 $0x1900, s7  }
0xb: {  	_ =	strace $0x80000047;
	s7 =	smul.u32 $0xC8000, s7;
	s1 =	ssub.s32 s1, s6  }
0xc: {  	s0 =	sadd.s32 s5, s0;
	s8 =	sor.u32 $0x40, s10;
	s9 =	sor.u32 $0x80, s10  }
0xd: {  	s10 =	sor.u32 $0xC0, s10;
	s11 =	smax.u32 s1, $0x1;
	s1 =	simm.s32 $0x3  }
0xe: {  	s5 =	sadd.s32 $0xF200, s0;
	s6 =	sadd.s32 $0x2200, s0;
	s0 =	simm.s32 $0x4  }
.LBB2_1:
0xf: {  	[tilespmem:s3], [sflag:$0x9] =	stream.linear.gather [hbm4b:s5+s3], $0x3200, $0x38;
	[tilespmem:$0x16800] =	vst v63  }
0x10: {  	_ =	swait.ge [sflag:s12], $0x3200  }
0x11: {  	[sflag:s12] =	ssyncset.done $0x0  }
0x12: {  	[sflag:s12] =	ssyncadd.s32 $0xFFFFCE00  }
0x13: {  	[tilespmem:s13], [sflag:$0x9] =	stream.linear.gather [hbm4b:s6+s3], $0x3200, $0x38;
	[tilespmem:$0x16800] =	vst v63  }
0x14: {  	_ =	swait.ge [sflag:s12], $0x3200  }
0x15: {  	[sflag:s12] =	ssyncset.done $0x0  }
0x16: {  	[sflag:s12] =	ssyncadd.s32 $0xFFFFCE00  }
0x17: {  	[tilespmem:s15], [sflag:$0x1] =	stream.indirect.gather [hbm4b:s4+s14], $0x80, s3, s14, $0xb8;
	[tilespmem:$0x16800] =	vst v63  }
0x18: {  	s23 =	simm.s32 $0xE800  }
0x19: {  	[tilespmem:s23], [sflag:$0x1] =	stream.indirect.gather [hbm4b:s4+s14], $0x80, s13, s14, $0xb8;
	[tilespmem:$0x16800] =	vst v63  }
0x1a: {  	s28 =	simm.s32 $0x80  }
0x1b: {  	[tilespmem:s18], [sflag:$0x2] =	stream.indirect.gather [hbm4b:s4+s14], $0x80, s28, s14, $0xb8;
	[tilespmem:$0x16800] =	vst v63  }
0x1c: {  	s29 =	simm.s32 $0x3480;
	s24 =	simm.s32 $0x10800  }
0x1d: {  	[tilespmem:s24], [sflag:$0x2] =	stream.indirect.gather [hbm4b:s4+s14], $0x80, s29, s14, $0xb8;
	[tilespmem:$0x16800] =	vst v63  }
0x1e: {  	s25 =	simm.s32 $0x100  }
0x1f: {  	[tilespmem:s22], [sflag:$0x3] =	stream.indirect.gather [hbm4b:s4+s14], $0x80, s25, s14, $0xb8;
	[tilespmem:$0x16800] =	vst v63  }
0x20: {  	s28 =	simm.s32 $0x3500;
	s29 =	simm.s32 $0x12800  }
0x21: {  	[tilespmem:s29], [sflag:$0x3] =	stream.indirect.gather [hbm4b:s4+s14], $0x80, s28, s14, $0xb8;
	[tilespmem:$0x16800] =	vst v63  }
0x22: {  	s25 =	simm.s32 $0x180  }
0x23: {  	[tilespmem:s26], [sflag:$0x4] =	stream.indirect.gather [hbm4b:s4+s14], $0x80, s25, s14, $0xb8;
	[tilespmem:$0x16800] =	vst v63  }
0x24: {  	s23 =	simm.s32 $0x0;
	s28 =	simm.s32 $0x3580;
	s29 =	simm.s32 $0x14800  }
0x25: {  	[tilespmem:s29], [sflag:$0x4] =	stream.indirect.gather [hbm4b:s4+s14], $0x80, s28, s14, $0xb8;
	[tilespmem:$0x16800] =	vst v63  }
.LBB2_2:
0x26: {  	_ =	swait.ge [sflag:s30], $0x2000  }
0x27: {  	[sflag:s30] =	ssyncset.done $0x0  }
0x28: {  	[sflag:s30] =	ssyncadd.s32 $0xFFFFE000  }
0x29: {  	_ =	swait.ge [sflag:s30], $0x2000  }
0x2a: {  	[sflag:s30] =	ssyncset.done $0x0  }
0x2b: {  	s24 =	simm.s32 $0x0;
	[sflag:s30] =	ssyncadd.s32 $0xFFFFE000  }
0x2c: {  	v3 =	vld [tilespmem:s24+$0xE8F0]  }
0x2d: {  	v4 =	vld [tilespmem:s24+$0xE840]  }
0x2e: {  	v5 =	vld [tilespmem:s24+$0xE850]  }
0x2f: {  	v2 =	vld [tilespmem:s24+$0xE860]  }
0x30: {  	v0 =	vld [tilespmem:s24+$0xE870]  }
0x31: {  	v1 =	vld [tilespmem:s24+$0xE8C0];
	[tilespmem:s24+$0x68F0] =	vst v3  }
0x32: {  	[tilespmem:s24+$0x6840] =	vst v4;
	v3 =	vld [tilespmem:s24+$0xE8D0]  }
0x33: {  	s25 =	simm.s32 $0x100;
	s28 =	simm.s32 $0x800;
	[tilespmem:s24+$0x6850] =	vst v5;
	v4 =	vld [tilespmem:s24+$0xE8E0]  }
.LBB2_3:
0x34: {  	p0 =	sne.s32 s28, $0x7C00;
	v5 =	vld [tilespmem:s25+$0xE8F0];
	[tilespmem:s24+$0x6860] =	vst v2  }
0x35: {  	v6 =	vld [tilespmem:s25+$0xE840];
	[tilespmem:s24+$0x6870] =	vst v0  }
0x36: {  	v7 =	vld [tilespmem:s25+$0xE850];
	[tilespmem:s24+$0x68C0] =	vst v1  }
.Ltmp0:
0x37: {  	v2 =	vld [tilespmem:s25+$0xE860];
	[tilespmem:s24+$0x68D0] =	vst v3;
	(pc) =	sbr.rel @p0 .LBB2_3-.Ltmp0, $4  }
0x38: {  	v0 =	vld [tilespmem:s25+$0xE870];
	[tilespmem:s24+$0x68E0] =	vst v4;
	s24 =	smov.u32 s25  }
0x39: {  	v1 =	vld [tilespmem:s24+$0xE8C0];
	[tilespmem:s24+$0x68F0] =	vst v5  }
0x3a: {  	[tilespmem:s24+$0x6840] =	vst v6;
	v3 =	vld [tilespmem:s24+$0xE8D0]  }
0x3b: {  	s25 =	sshra.s32 s28, $0x2;
	s28 =	sadd.s32 $0x400, s28;
	[tilespmem:s24+$0x6850] =	vst v7;
	v4 =	vld [tilespmem:s24+$0xE8E0]  }
0x3c: {  	v5 =	vld [tilespmem:s25+$0xE8F0];
	[tilespmem:s24+$0x6860] =	vst v2  }
0x3d: {  	v2 =	vld [tilespmem:s25+$0xE840];
	[tilespmem:s24+$0x6870] =	vst v0  }
0x3e: {  	v0 =	vld [tilespmem:s25+$0xE850];
	[tilespmem:s24+$0x68C0] =	vst v1  }
0x3f: {  	v1 =	vld [tilespmem:s25+$0xE860];
	[tilespmem:s24+$0x68D0] =	vst v3  }
0x40: {  	v3 =	vld [tilespmem:s25+$0xE870];
	[tilespmem:s24+$0x68E0] =	vst v4  }
0x41: {  	v4 =	vld [tilespmem:s25+$0xE8C0];
	[tilespmem:s25+$0x68F0] =	vst v5  }
0x42: {  	[tilespmem:s25+$0x6840] =	vst v2;
	v2 =	vld [tilespmem:s25+$0xE8D0]  }
0x43: {  	[tilespmem:s25+$0x6850] =	vst v0;
	v0 =	vld [tilespmem:s25+$0xE8E0]  }
0x44: {  	[tilespmem:s25+$0x6860] =	vst v1  }
0x45: {  	s29 =	sshll.u32 s23, $0xF;
	[tilespmem:s25+$0x6870] =	vst v3  }
0x46: {  	s24 =	sadd.s32 s7, s29;
	[tilespmem:s25+$0x68C0] =	vst v4  }
0x47: {  	s24 =	sshrl.u32 s24, $0x3;
	[tilespmem:s25+$0x68D0] =	vst v2  }
0x48: {  	s29 =	simm.s32 $0x0;
	s24 =	sadd.s32 s2, s24;
	[tilespmem:s25+$0x68E0] =	vst v0  }
0x49: {  	[hbm4b:s24+s29] =	stream.linear.scatter [tilespmem:s15], [sflag:$0x5], $0x2000, $0x38;
	[tilespmem:$0x16800] =	vst v63  }
0x4a: {  	_ =	swait.ge [sflag:s31], $0x2000  }
0x4b: {  	[sflag:s31] =	ssyncset.done $0x0  }
0x4c: {  	[sflag:s31] =	ssyncadd.s32 $0xFFFFE000  }
0x4d: {  	_ =	swait.ge [sflag:s31], $0x2000  }
0x4e: {  	[sflag:s31] =	ssyncset.done $0x0  }
0x4f: {  	s24 =	simm.s32 $0x0;
	[sflag:s31] =	ssyncadd.s32 $0xFFFFE000  }
0x50: {  	v3 =	vld [tilespmem:s24+$0x108F0]  }
0x51: {  	v4 =	vld [tilespmem:s24+$0x10840]  }
0x52: {  	v5 =	vld [tilespmem:s24+$0x10850]  }
0x53: {  	v2 =	vld [tilespmem:s24+$0x10860]  }
0x54: {  	v0 =	vld [tilespmem:s24+$0x10870]  }
0x55: {  	v1 =	vld [tilespmem:s24+$0x108C0];
	[tilespmem:s24+$0x88F0] =	vst v3  }
0x56: {  	[tilespmem:s24+$0x8840] =	vst v4;
	v3 =	vld [tilespmem:s24+$0x108D0]  }
0x57: {  	s28 =	simm.s32 $0x800;
	s25 =	simm.s32 $0x100;
	[tilespmem:s24+$0x8850] =	vst v5;
	v4 =	vld [tilespmem:s24+$0x108E0]  }
.LBB2_5:
0x58: {  	p0 =	sne.s32 s28, $0x7C00;
	v5 =	vld [tilespmem:s25+$0x108F0];
	[tilespmem:s24+$0x8860] =	vst v2  }
0x59: {  	v6 =	vld [tilespmem:s25+$0x10840];
	[tilespmem:s24+$0x8870] =	vst v0  }
0x5a: {  	v7 =	vld [tilespmem:s25+$0x10850];
	[tilespmem:s24+$0x88C0] =	vst v1  }
.Ltmp1:
0x5b: {  	v2 =	vld [tilespmem:s25+$0x10860];
	[tilespmem:s24+$0x88D0] =	vst v3;
	(pc) =	sbr.rel @p0 .LBB2_5-.Ltmp1, $4  }
0x5c: {  	v0 =	vld [tilespmem:s25+$0x10870];
	[tilespmem:s24+$0x88E0] =	vst v4;
	s24 =	smov.u32 s25  }
0x5d: {  	v1 =	vld [tilespmem:s24+$0x108C0];
	[tilespmem:s24+$0x88F0] =	vst v5  }
0x5e: {  	[tilespmem:s24+$0x8840] =	vst v6;
	v3 =	vld [tilespmem:s24+$0x108D0]  }
0x5f: {  	s25 =	sshra.s32 s28, $0x2;
	s28 =	sadd.s32 $0x400, s28;
	[tilespmem:s24+$0x8850] =	vst v7;
	v4 =	vld [tilespmem:s24+$0x108E0]  }
0x60: {  	v5 =	vld [tilespmem:s25+$0x108F0];
	[tilespmem:s24+$0x8860] =	vst v2  }
0x61: {  	v2 =	vld [tilespmem:s25+$0x10840];
	[tilespmem:s24+$0x8870] =	vst v0  }
0x62: {  	v0 =	vld [tilespmem:s25+$0x10850];
	[tilespmem:s24+$0x88C0] =	vst v1  }
0x63: {  	v1 =	vld [tilespmem:s25+$0x10860];
	[tilespmem:s24+$0x88D0] =	vst v3  }
0x64: {  	v3 =	vld [tilespmem:s25+$0x10870];
	[tilespmem:s24+$0x88E0] =	vst v4  }
0x65: {  	v4 =	vld [tilespmem:s25+$0x108C0];
	[tilespmem:s25+$0x88F0] =	vst v5  }
0x66: {  	[tilespmem:s25+$0x8840] =	vst v2;
	v2 =	vld [tilespmem:s25+$0x108D0]  }
0x67: {  	[tilespmem:s25+$0x8850] =	vst v0;
	v0 =	vld [tilespmem:s25+$0x108E0]  }
0x68: {  	[tilespmem:s25+$0x8860] =	vst v1  }
0x69: {  	s24 =	sshll.u32 s23, $0x8;
	[tilespmem:s25+$0x8870] =	vst v3  }
0x6a: {  	s28 =	sadd.s32 s24, s8;
	[tilespmem:s25+$0x88C0] =	vst v4  }
0x6b: {  	s28 =	sshll.u32 s28, $0x4;
	[tilespmem:s25+$0x88D0] =	vst v2  }
0x6c: {  	[tilespmem:s25+$0x88E0] =	vst v0;
	s25 =	sadd.s32 s2, s28;
	s28 =	simm.s32 $0x0  }
0x6d: {  	[hbm4b:s25+s28] =	stream.linear.scatter [tilespmem:s18], [sflag:$0x6], $0x2000, $0x38;
	[tilespmem:$0x16800] =	vst v63  }
0x6e: {  	_ =	swait.ge [sflag:s1], $0x2000  }
0x6f: {  	[sflag:s1] =	ssyncset.done $0x0  }
0x70: {  	[sflag:s1] =	ssyncadd.s32 $0xFFFFE000  }
0x71: {  	_ =	swait.ge [sflag:s1], $0x2000  }
0x72: {  	[sflag:s1] =	ssyncset.done $0x0  }
0x73: {  	s25 =	simm.s32 $0x0;
	[sflag:s1] =	ssyncadd.s32 $0xFFFFE000  }
0x74: {  	v3 =	vld [tilespmem:s25+$0x128F0]  }
0x75: {  	v4 =	vld [tilespmem:s25+$0x12840]  }
0x76: {  	v5 =	vld [tilespmem:s25+$0x12850]  }
0x77: {  	v2 =	vld [tilespmem:s25+$0x12860]  }
0x78: {  	v0 =	vld [tilespmem:s25+$0x12870]  }
0x79: {  	v1 =	vld [tilespmem:s25+$0x128C0];
	[tilespmem:s25+$0xA8F0] =	vst v3  }
0x7a: {  	[tilespmem:s25+$0xA840] =	vst v4;
	v3 =	vld [tilespmem:s25+$0x128D0]  }
0x7b: {  	s29 =	simm.s32 $0x800;
	s28 =	simm.s32 $0x100;
	[tilespmem:s25+$0xA850] =	vst v5;
	v4 =	vld [tilespmem:s25+$0x128E0]  }
.LBB2_7:
0x7c: {  	p0 =	sne.s32 s29, $0x7C00;
	v5 =	vld [tilespmem:s28+$0x128F0];
	[tilespmem:s25+$0xA860] =	vst v2  }
0x7d: {  	v6 =	vld [tilespmem:s28+$0x12840];
	[tilespmem:s25+$0xA870] =	vst v0  }
0x7e: {  	v7 =	vld [tilespmem:s28+$0x12850];
	[tilespmem:s25+$0xA8C0] =	vst v1  }
.Ltmp2:
0x7f: {  	v2 =	vld [tilespmem:s28+$0x12860];
	[tilespmem:s25+$0xA8D0] =	vst v3;
	(pc) =	sbr.rel @p0 .LBB2_7-.Ltmp2, $4  }
0x80: {  	v0 =	vld [tilespmem:s28+$0x12870];
	[tilespmem:s25+$0xA8E0] =	vst v4;
	s25 =	smov.u32 s28  }
0x81: {  	v1 =	vld [tilespmem:s25+$0x128C0];
	[tilespmem:s25+$0xA8F0] =	vst v5  }
0x82: {  	[tilespmem:s25+$0xA840] =	vst v6;
	v3 =	vld [tilespmem:s25+$0x128D0]  }
0x83: {  	s28 =	sshra.s32 s29, $0x2;
	s29 =	sadd.s32 $0x400, s29;
	[tilespmem:s25+$0xA850] =	vst v7;
	v4 =	vld [tilespmem:s25+$0x128E0]  }
0x84: {  	v5 =	vld [tilespmem:s28+$0x128F0];
	[tilespmem:s25+$0xA860] =	vst v2  }
0x85: {  	v2 =	vld [tilespmem:s28+$0x12840];
	[tilespmem:s25+$0xA870] =	vst v0  }
0x86: {  	v0 =	vld [tilespmem:s28+$0x12850];
	[tilespmem:s25+$0xA8C0] =	vst v1  }
0x87: {  	v1 =	vld [tilespmem:s28+$0x12860];
	[tilespmem:s25+$0xA8D0] =	vst v3  }
0x88: {  	v3 =	vld [tilespmem:s28+$0x12870];
	[tilespmem:s25+$0xA8E0] =	vst v4  }
0x89: {  	v4 =	vld [tilespmem:s28+$0x128C0];
	[tilespmem:s28+$0xA8F0] =	vst v5  }
0x8a: {  	[tilespmem:s28+$0xA840] =	vst v2;
	v2 =	vld [tilespmem:s28+$0x128D0]  }
0x8b: {  	[tilespmem:s28+$0xA850] =	vst v0;
	v0 =	vld [tilespmem:s28+$0x128E0]  }
0x8c: {  	[tilespmem:s28+$0xA860] =	vst v1  }
0x8d: {  	[tilespmem:s28+$0xA870] =	vst v3  }
0x8e: {  	s25 =	sadd.s32 s24, s9;
	[tilespmem:s28+$0xA8C0] =	vst v4  }
0x8f: {  	s25 =	sshll.u32 s25, $0x4;
	[tilespmem:s28+$0xA8D0] =	vst v2  }
0x90: {  	s25 =	sadd.s32 s2, s25;
	[tilespmem:s28+$0xA8E0] =	vst v0;
	s28 =	simm.s32 $0x0  }
0x91: {  	[hbm4b:s25+s28] =	stream.linear.scatter [tilespmem:s22], [sflag:$0x7], $0x2000, $0x38;
	[tilespmem:$0x16800] =	vst v63  }
0x92: {  	_ =	swait.ge [sflag:s0], $0x2000  }
0x93: {  	[sflag:s0] =	ssyncset.done $0x0  }
0x94: {  	[sflag:s0] =	ssyncadd.s32 $0xFFFFE000  }
0x95: {  	_ =	swait.ge [sflag:s0], $0x2000  }
0x96: {  	[sflag:s0] =	ssyncset.done $0x0  }
0x97: {  	s25 =	simm.s32 $0x0;
	[sflag:s0] =	ssyncadd.s32 $0xFFFFE000  }
0x98: {  	v3 =	vld [tilespmem:s25+$0x148F0]  }
0x99: {  	v4 =	vld [tilespmem:s25+$0x14840]  }
0x9a: {  	v5 =	vld [tilespmem:s25+$0x14850]  }
0x9b: {  	v2 =	vld [tilespmem:s25+$0x14860]  }
0x9c: {  	v0 =	vld [tilespmem:s25+$0x14870]  }
0x9d: {  	v1 =	vld [tilespmem:s25+$0x148C0];
	[tilespmem:s25+$0xC8F0] =	vst v3  }
0x9e: {  	[tilespmem:s25+$0xC840] =	vst v4;
	v3 =	vld [tilespmem:s25+$0x148D0]  }
0x9f: {  	s29 =	simm.s32 $0x800;
	s28 =	simm.s32 $0x100;
	[tilespmem:s25+$0xC850] =	vst v5;
	v4 =	vld [tilespmem:s25+$0x148E0]  }
.LBB2_9:
0xa0: {  	p0 =	sne.s32 s29, $0x7C00;
	v5 =	vld [tilespmem:s28+$0x148F0];
	[tilespmem:s25+$0xC860] =	vst v2  }
0xa1: {  	v6 =	vld [tilespmem:s28+$0x14840];
	[tilespmem:s25+$0xC870] =	vst v0  }
0xa2: {  	v7 =	vld [tilespmem:s28+$0x14850];
	[tilespmem:s25+$0xC8C0] =	vst v1  }
.Ltmp3:
0xa3: {  	v2 =	vld [tilespmem:s28+$0x14860];
	[tilespmem:s25+$0xC8D0] =	vst v3;
	(pc) =	sbr.rel @p0 .LBB2_9-.Ltmp3, $4  }
0xa4: {  	v0 =	vld [tilespmem:s28+$0x14870];
	[tilespmem:s25+$0xC8E0] =	vst v4;
	s25 =	smov.u32 s28  }
0xa5: {  	v1 =	vld [tilespmem:s25+$0x148C0];
	[tilespmem:s25+$0xC8F0] =	vst v5  }
0xa6: {  	[tilespmem:s25+$0xC840] =	vst v6;
	v3 =	vld [tilespmem:s25+$0x148D0]  }
0xa7: {  	s28 =	sshra.s32 s29, $0x2;
	s29 =	sadd.s32 $0x400, s29;
	[tilespmem:s25+$0xC850] =	vst v7;
	v4 =	vld [tilespmem:s25+$0x148E0]  }
0xa8: {  	v5 =	vld [tilespmem:s28+$0x148F0];
	[tilespmem:s25+$0xC860] =	vst v2  }
0xa9: {  	v2 =	vld [tilespmem:s28+$0x14840];
	[tilespmem:s25+$0xC870] =	vst v0  }
0xaa: {  	v0 =	vld [tilespmem:s28+$0x14850];
	[tilespmem:s25+$0xC8C0] =	vst v1  }
0xab: {  	v1 =	vld [tilespmem:s28+$0x14860];
	[tilespmem:s25+$0xC8D0] =	vst v3  }
0xac: {  	v3 =	vld [tilespmem:s28+$0x14870];
	[tilespmem:s25+$0xC8E0] =	vst v4  }
0xad: {  	v4 =	vld [tilespmem:s28+$0x148C0];
	[tilespmem:s28+$0xC8F0] =	vst v5  }
0xae: {  	v62 =	vld [tilespmem:s28+$0x148D0];
	[tilespmem:s28+$0xC840] =	vst v2  }
0xaf: {  	v63 =	vld [tilespmem:s28+$0x148E0];
	[tilespmem:s28+$0xC850] =	vst v0  }
0xb0: {  	[tilespmem:s28+$0xC860] =	vst v1  }
0xb1: {  	[tilespmem:s28+$0xC870] =	vst v3  }
0xb2: {  	s24 =	sadd.s32 s24, s10;
	[tilespmem:s28+$0xC8C0] =	vst v4  }
0xb3: {  	s24 =	sshll.u32 s24, $0x4;
	[tilespmem:s28+$0xC8D0] =	vst v62  }
0xb4: {  	p0 =	seq.s32 s23, $0x18;
	s24 =	sadd.s32 s2, s24;
	[tilespmem:s28+$0xC8E0] =	vst v63  }
0xb5: {  	[hbm4b:s24+s3] =	stream.linear.scatter [tilespmem:s26], [sflag:$0x8], $0x2000, $0x38;
	[tilespmem:$0x16800] =	vst v63  }
0xb6: {  	s24 =	simm.s32 @!p0 $0x5  }
0xb7: {  	s23 =	sadd.s32 @!p0 $0x1, s23;
	_ =	swait.ge @!p0 [sflag:s24], $0x2000  }
0xb8: {  	s25 =	sshll.u32 @!p0 s23, $0x9;
	[sflag:s24] =	ssyncset.done @!p0 $0x0  }
0xb9: {  	s28 =	simm.s32 @!p0 $0x6800;
	[sflag:s24] =	ssyncadd.s32 @!p0 $0xFFFFE000;
	s24 =	simm.s32 @!p0 $0x40  }
0xba: {  	[tilespmem:s28], [sflag:$0x1] =	stream.indirect.gather @!p0 [hbm4b:s4+s24], $0x80, s25, s24, $0xb8;
	[tilespmem:$0x16800] =	vst v63  }
0xbb: {  	s29 =	simm.s32 @!p0 $0xE800;
	s28 =	sadd.s32 @!p0 $0x3400, s25  }
0xbc: {  	[tilespmem:s29], [sflag:$0x1] =	stream.indirect.gather @!p0 [hbm4b:s4+s24], $0x80, s28, s24, $0xb8;
	[tilespmem:$0x16800] =	vst v63  }
0xbd: {  	s28 =	simm.s32 @!p0 $0x6  }
0xbe: {  	_ =	swait.ge @!p0 [sflag:s28], $0x2000  }
0xbf: {  	[sflag:s28] =	ssyncset.done @!p0 $0x0  }
0xc0: {  	s29 =	simm.s32 @!p0 $0x8800;
	[sflag:s28] =	ssyncadd.s32 @!p0 $0xFFFFE000;
	s28 =	sor.u32 @!p0 $0x80, s25  }
0xc1: {  	[tilespmem:s29], [sflag:$0x2] =	stream.indirect.gather @!p0 [hbm4b:s4+s24], $0x80, s28, s24, $0xb8;
	[tilespmem:$0x16800] =	vst v63  }
0xc2: {  	s28 =	sadd.s32 @!p0 $0x3480, s25;
	s29 =	simm.s32 @!p0 $0x10800  }
0xc3: {  	[tilespmem:s29], [sflag:$0x2] =	stream.indirect.gather @!p0 [hbm4b:s4+s24], $0x80, s28, s24, $0xb8;
	[tilespmem:$0x16800] =	vst v63  }
0xc4: {  	s28 =	simm.s32 @!p0 $0x7  }
0xc5: {  	_ =	swait.ge @!p0 [sflag:s28], $0x2000  }
0xc6: {  	[sflag:s28] =	ssyncset.done @!p0 $0x0  }
0xc7: {  	s29 =	simm.s32 @!p0 $0xA800;
	[sflag:s28] =	ssyncadd.s32 @!p0 $0xFFFFE000;
	s28 =	sor.u32 @!p0 $0x100, s25  }
0xc8: {  	[tilespmem:s29], [sflag:$0x3] =	stream.indirect.gather @!p0 [hbm4b:s4+s24], $0x80, s28, s24, $0xb8;
	[tilespmem:$0x16800] =	vst v63  }
0xc9: {  	s28 =	sadd.s32 @!p0 $0x3500, s25;
	s29 =	simm.s32 @!p0 $0x12800  }
0xca: {  	[tilespmem:s29], [sflag:$0x3] =	stream.indirect.gather @!p0 [hbm4b:s4+s24], $0x80, s28, s24, $0xb8;
	[tilespmem:$0x16800] =	vst v63  }
0xcb: {  	s28 =	simm.s32 @!p0 $0x8  }
0xcc: {  	_ =	swait.ge @!p0 [sflag:s28], $0x2000  }
0xcd: {  	[sflag:s28] =	ssyncset.done @!p0 $0x0  }
0xce: {  	s29 =	sor.u32 @!p0 $0x180, s25;
	[sflag:s28] =	ssyncadd.s32 @!p0 $0xFFFFE000;
	s28 =	simm.s32 @!p0 $0xC800  }
0xcf: {  	[tilespmem:s28], [sflag:$0x4] =	stream.indirect.gather @!p0 [hbm4b:s4+s24], $0x80, s29, s24, $0xb8;
	[tilespmem:$0x16800] =	vst v63  }
0xd0: {  	p1 =	sne.s32 @!p0 s23, $0x19;
	s25 =	sadd.s32 @!p0 $0x3580, s25;
	s28 =	simm.s32 @!p0 $0x14800  }
0xd1: {  	[tilespmem:s28], [sflag:$0x4] =	stream.indirect.gather @!p0 [hbm4b:s4+s24], $0x80, s25, s24, $0xb8;
	[tilespmem:$0x16800] =	vst v63  }
0xd2: {  	p0 =	por p0, !p1  }
.Ltmp4:
0xd3: {  	_ = 	snop;
	(pc) =	sbr.rel @!p0 .LBB2_2-.Ltmp4, $1  }
0xd4: {  	_ =	sdelay $0x3  }
0xd5: {  	_ =	swait.ge [sflag:s16], $0x2000  }
0xd6: {  	[sflag:s16] =	ssyncset.done $0x0  }
0xd7: {  	[sflag:s16] =	ssyncadd.s32 $0xFFFFE000  }
0xd8: {  	_ =	swait.ge [sflag:s17], $0x2000  }
0xd9: {  	[sflag:s17] =	ssyncset.done $0x0  }
0xda: {  	s21 =	sadd.s32 $0x1, s21;
	[sflag:s17] =	ssyncadd.s32 $0xFFFFE000  }
0xdb: {  	p0 =	sne.s32 s21, s11;
	_ =	swait.ge [sflag:s19], $0x2000  }
.Ltmp5:
0xdc: {  	[sflag:s19] =	ssyncset.done $0x0;
	(pc) =	sbr.rel @p0 .LBB2_1-.Ltmp5, $4  }
0xdd: {  	[sflag:s19] =	ssyncadd.s32 $0xFFFFE000  }
0xde: {  	_ =	swait.ge [sflag:s20], $0x2000  }
0xdf: {  	[sflag:s20] =	ssyncset.done $0x0  }
0xe0: {  	[sflag:s20] =	ssyncadd.s32 $0xFFFFE000  }
0xe1: {  	_ =	sfence.sel $0x180000  }
0xe2: {  	[bflag:$0x0] =	sbarrier.arrive $0xFFFF  }
0xe3: {  	_ =	strace $0x90000047  }
0xe4: {  	s0 =	stileid.u32;
	[bflag:$0x2] =	sbarrier.arrive $0xFFFF  }
0xe5: {  	p0 =	sne.s32 s0, $0x0;
	s0 =	rddreg [dreg:$0x2]  }
0xe6: {  	s0 =	sadd.s32 @!p0 $0x100000, s0  }
0xe7: {  	[sflag:s0] =	ssyncadd.tile.s32 @!p0 $0x1;
	_ =	shalt  }
.Lfunc_end2:
_tile_overlayer_lowered:
.L_overlay_start_2:
0xe8: {  	(tag) =	ssettag $0x2  }
0xe9: {  	s0 =	rddreg [dreg:$0x0];
	s2 =	stileid.u32  }
0xea: {  	s1 =	rddreg [dreg:$0x1];
	p0 =	sne.s32 s2, $0x0  }
0xeb: {  	s3 =	rddreg [dreg:$0x2];
	[bflag:$0x3] =	sbarrier.arrive $0xFFFF;
	s2 =	simm.s32 @!p0 $0x1C09  }
0xec: {  	[timem:s3], [sflag:s2] =	dma.local @!p0 [hbm:s0], s1  }
0xed: {  	s0 =	simm.s32 @!p0 $0x9  }
0xee: {  	_ =	swait.ge @!p0 [sflag:s0], s1  }
0xef: {  	s1 =	ssub.s32 @!p0 $0x0, s1;
	[sflag:s0] =	ssyncset.done @!p0 $0x0  }
0xf0: {  	[sflag:s0] =	ssyncadd.s32 @!p0 s1  }
0xf1: {  	[bflag:$0x3] =	sbarrier.arrive $0xFFFF  }
0xf2: {  	_ =	shalt  }

</sc_bundles>
